<compile_context>
chip_gen: v7x
topology: tpu7x:2x2x1
jax: 0.10.2.dev20260603
libtpu: 0.0.44.dev20260713+nightly
codegen_flags: <defaults>
</compile_context>

<pallas_src>
import functools
import jax
import jax.numpy as jnp
from jax import lax
from jax.experimental import pallas as pl
from jax.experimental.pallas import tpu as pltpu
from jax.experimental.pallas import tpu_sc as plsc

N = 10000
E = 320000
D = 128
NCLS = 40
EPS = 1.0

NPAD = 10240
NTILE = 32
CH = 128
CTOT = E // CH
MAXC = 80
RPT = NPAD // 16
NBLK = NPAD // 128

_SC_MESH = plsc.VectorSubcoreMesh(
    core_axis_name="c", subcore_axis_name="s", num_cores=2, num_subcores=16
)
_SC_PARAMS = pltpu.CompilerParams(needs_layout_passes=False)


@functools.partial(
    pl.kernel,
    out_type=jax.ShapeDtypeStruct((NTILE, NPAD), jnp.float32),
    mesh=_SC_MESH,
    scratch_types=[
        pltpu.VMEM((NPAD,), jnp.float32),
        pltpu.VMEM((MAXC, CH), jnp.int32),
    ],
    compiler_params=_SC_PARAMS,
)
def _sc_degree(dst_hbm, out_hbm, hist, dstv):
    cid = lax.axis_index("c")
    sid = lax.axis_index("s")
    wid = cid * 16 + sid
    start = 80 * wid - 8 * (wid // 4)
    is_big = (wid % 4) < 3
    count = jnp.where(is_big, 80, 72) + jnp.where(wid == NTILE - 1, 4, 0)

    zeros16 = jnp.zeros((16,), jnp.float32)

    def zero_body(i, _):
        hist[pl.ds(i * 16, 16)] = zeros16
        return 0

    lax.fori_loop(0, NPAD // 16, zero_body, 0)

    pltpu.sync_copy(dst_hbm.at[pl.ds(start, 72)], dstv.at[pl.ds(0, 72)])

    @pl.when(is_big)
    def _():
        pltpu.sync_copy(dst_hbm.at[pl.ds(start + 72, 8)],
                        dstv.at[pl.ds(72, 8)])

    @pl.when(wid == NTILE - 1)
    def _():
        pltpu.sync_copy(dst_hbm.at[pl.ds(start + 72, 4)],
                        dstv.at[pl.ds(72, 4)])

    ones16 = jnp.ones((16,), jnp.float32)

    def acc_body(i, _):
        idx = dstv[i // 8, pl.ds((i % 8) * 16, 16)]
        plsc.addupdate_scatter(hist, [idx], ones16)
        return 0

    lax.fori_loop(0, count * 8, acc_body, 0)

    pltpu.sync_copy(hist, out_hbm.at[wid])


RBLK = 8
NSTEP = NBLK // RBLK


def _h2_body(x_ref, w_ref, b_ref, deg_ref, h2_ref):
    d = jnp.sum(deg_ref[...], axis=2, keepdims=True) + 1.0
    dinv = lax.rsqrt(d)
    xb = x_ref[...].reshape(RBLK * 128, D)
    h = jnp.dot(xb, w_ref[...], preferred_element_type=jnp.float32)
    h = h + b_ref[...]
    h2_ref[...] = h.reshape(RBLK, 128, D) * dinv


_tc_h2 = pl.pallas_call(
    _h2_body,
    grid=(NSTEP,),
    in_specs=[
        pl.BlockSpec((RBLK, 128, D), lambda i: (i, 0, 0)),
        pl.BlockSpec((D, D), lambda i: (0, 0)),
        pl.BlockSpec((1, D), lambda i: (0, 0)),
        pl.BlockSpec((RBLK, 128, NTILE), lambda i: (i, 0, 0)),
    ],
    out_specs=pl.BlockSpec((RBLK, 128, D), lambda i: (i, 0, 0)),
    out_shape=jax.ShapeDtypeStruct((NBLK, 128, D), jnp.float32),
)


@functools.partial(
    pl.kernel,
    out_type=jax.ShapeDtypeStruct((2, NPAD, D), jnp.float32),
    mesh=_SC_MESH,
    scratch_types=[
        pltpu.VMEM((MAXC, CH), jnp.int32),
        pltpu.VMEM((1, CH), jnp.int32),
        pltpu.VMEM((1, CH), jnp.int32),
        pltpu.VMEM((CH, D), jnp.float32),
        pltpu.VMEM((CH, D), jnp.float32),
        pltpu.VMEM_SHARED((NPAD, D), jnp.float32),
        pltpu.SemaphoreType.DMA,
        pltpu.SemaphoreType.DMA,
        pltpu.SemaphoreType.DMA,
        pltpu.SemaphoreType.DMA,
    ],
    compiler_params=_SC_PARAMS,
)
def _sc_scatter(src_hbm, dst_hbm, h2_hbm, zero_hbm, out_hbm,
                srcv, db0, db1, buf0, buf1, acc, sem0, sem1, dsem0, dsem1):
    cid = lax.axis_index("c")
    sid = lax.axis_index("s")
    wid = cid * 16 + sid
    start = 80 * wid - 8 * (wid // 4)
    is_big = (wid % 4) < 3
    npair = jnp.where(is_big, 40, 36) + jnp.where(wid == NTILE - 1, 2, 0)

    pltpu.sync_copy(zero_hbm.at[pl.ds(sid * RPT, RPT)],
                    acc.at[pl.ds(sid * RPT, RPT)])
    pltpu.sync_copy(src_hbm.at[pl.ds(start, 72)], srcv.at[pl.ds(0, 72)])

    @pl.when(is_big)
    def _():
        pltpu.sync_copy(src_hbm.at[pl.ds(start + 72, 8)],
                        srcv.at[pl.ds(72, 8)])

    @pl.when(wid == NTILE - 1)
    def _():
        pltpu.sync_copy(src_hbm.at[pl.ds(start + 72, 4)],
                        srcv.at[pl.ds(72, 4)])

    plsc.subcore_barrier()

    def g_start(c, buf, sem):
        pltpu.make_async_copy(h2_hbm.at[srcv.at[c]], buf, sem).start()

    def g_wait(c, buf, sem):
        pltpu.make_async_copy(h2_hbm.at[srcv.at[c]], buf, sem).wait()

    def d_start(c, db, sem):
        pltpu.make_async_copy(dst_hbm.at[start + c], db.at[0], sem).start()

    def d_wait(c, db, sem):
        pltpu.make_async_copy(dst_hbm.at[start + c], db.at[0], sem).wait()

    g_start(0, buf0, sem0)
    d_start(0, db0, dsem0)

    def body(i, _):
        c0 = 2 * i
        c1 = c0 + 1
        g_start(c1, buf1, sem1)
        d_start(c1, db1, dsem1)
        g_wait(c0, buf0, sem0)
        d_wait(c0, db0, dsem0)
        pltpu.sync_copy(buf0, acc.at[db0.at[0]], add=True)

        @pl.when(i < npair - 1)
        def _():
            g_start(c0 + 2, buf0, sem0)
            d_start(c0 + 2, db0, dsem0)

        g_wait(c1, buf1, sem1)
        d_wait(c1, db1, dsem1)
        pltpu.sync_copy(buf1, acc.at[db1.at[0]], add=True)
        return 0

    lax.fori_loop(0, npair, body, 0)
    plsc.subcore_barrier()

    pltpu.sync_copy(acc.at[pl.ds(sid * RPT, RPT)],
                    out_hbm.at[cid, pl.ds(sid * RPT, RPT), :])


def _final_body(p0_ref, p1_ref, h2_ref, deg_ref, wro_ref, bro_ref, out_ref):
    d = jnp.sum(deg_ref[...], axis=2, keepdims=True) + 1.0
    dinv = lax.rsqrt(d)
    s = p0_ref[0] + p1_ref[0] + EPS * h2_ref[...]
    o = jnp.maximum(s * dinv, 0.0).reshape(RBLK * 128, D)
    logits = jnp.dot(o, wro_ref[...], preferred_element_type=jnp.float32)
    logits = logits + bro_ref[...]
    m = jnp.max(logits, axis=1, keepdims=True)
    e = jnp.exp(logits - m)
    lse = jnp.log(jnp.sum(e, axis=1, keepdims=True))
    out_ref[...] = logits - m - lse


_tc_final = pl.pallas_call(
    _final_body,
    grid=(NSTEP,),
    in_specs=[
        pl.BlockSpec((1, RBLK, 128, D), lambda i: (0, i, 0, 0)),
        pl.BlockSpec((1, RBLK, 128, D), lambda i: (1, i, 0, 0)),
        pl.BlockSpec((RBLK, 128, D), lambda i: (i, 0, 0)),
        pl.BlockSpec((RBLK, 128, NTILE), lambda i: (i, 0, 0)),
        pl.BlockSpec((D, D), lambda i: (0, 0)),
        pl.BlockSpec((1, D), lambda i: (0, 0)),
    ],
    out_specs=pl.BlockSpec((RBLK * 128, D), lambda i: (i, 0)),
    out_shape=jax.ShapeDtypeStruct((NPAD, D), jnp.float32),
)


def kernel(x, edge_index, W1, b1, W_ro, b_ro):
    src2 = edge_index[0].reshape(CTOT, CH)
    dst2 = edge_index[1].reshape(CTOT, CH)

    x_pad = jnp.pad(x, ((0, NPAD - N), (0, 0)))
    b1r = b1.reshape(1, D)
    wro_pad = jnp.pad(W_ro, ((0, 0), (0, D - NCLS)))
    bro_pad = jnp.concatenate(
        [b_ro, jnp.full((D - NCLS,), -1e30, jnp.float32)]
    ).reshape(1, D)
    zero_acc = jnp.zeros((NPAD, D), jnp.float32)

    deg_parts = _sc_degree(dst2)
    deg_t = deg_parts.reshape(NTILE, NBLK, 128).transpose(1, 2, 0)

    x_blk = x_pad.reshape(NBLK, 128, D)
    h2 = _tc_h2(x_blk, W1, b1r, deg_t)
    parts = _sc_scatter(src2, dst2, h2.reshape(NPAD, D), zero_acc)
    parts_blk = parts.reshape(2, NBLK, 128, D)
    res = _tc_final(parts_blk, parts_blk, h2, deg_t, wro_pad, bro_pad)
    return res[:N, :NCLS]

# --- scband reference (transcript-rebuilt; emitter-appended) ---
"""Pipeline reference for scband-gcnnet-26036091749022 (READ-ONLY COPY).

The authoritative reference and input builder live on the scoring server;
editing this copy changes nothing except your own understanding.
"""

import jax, jax.numpy as jnp
import numpy as np

N = 10000
E = 320000
D_IN = 128
D_H = 128
N_CLS = 40
EPS = 1.0


def setup_inputs(seed: int = 0) -> dict:
    key = jax.random.key(seed)
    ks = jax.random.split(key, 6)
    x = jax.random.normal(ks[0], (N, D_IN), dtype=jnp.float32)
    # int32 used so the module runs under default jax config (no x64); values < N
    edge_index = jax.random.randint(ks[1], (2, E), 0, N, dtype=jnp.int32)
    W1 = jax.random.normal(ks[2], (D_IN, D_H), dtype=jnp.float32) * (1.0 / np.sqrt(D_IN))
    b1 = jnp.zeros((D_H,), dtype=jnp.float32)
    W_ro = jax.random.normal(ks[3], (D_H, N_CLS), dtype=jnp.float32) * (1.0 / np.sqrt(D_H))
    b_ro = jnp.zeros((N_CLS,), dtype=jnp.float32)
    return {"x": x, "edge_index": edge_index, "W1": W1, "b1": b1, "W_ro": W_ro, "b_ro": b_ro}


def reference(x, edge_index, W1, b1, W_ro, b_ro):
    # GCNRobustConv (vanilla): linear transform, symmetric-normalized
    # aggregation with self-loop (add_identity, normalize=True, epsilon=1.0)
    src = edge_index[0]
    dst = edge_index[1]
    n = x.shape[0]
    # degree including self-loop
    deg = jnp.zeros((n,), dtype=x.dtype).at[dst].add(1.0) + 1.0
    dinv = jax.lax.rsqrt(deg)
    norm = dinv[src] * dinv[dst]
    h = x @ W1 + b1
    msg = h[src] * norm[:, None]
    agg = jnp.zeros_like(h).at[dst].add(msg)
    out = agg + EPS * h * (dinv * dinv)[:, None]
    out = jax.nn.relu(out)
    # dropout is identity in eval mode (training=False)
    # readout MLP
    logits = out @ W_ro + b_ro
    return jax.nn.log_softmax(logits, axis=1)

if __name__ == "__main__":
    import jax
    _d = setup_inputs()
    print(jax.jit(kernel)(*tuple(_d.values())))

</pallas_src>

<mosaic_0001>
#map = affine_map<(d0, d1) -> (0, 0)>
module attributes {stable_mosaic.version = 14 : i64} {
  func.func @_sc_degree(%arg0: i32, %arg1: i32, %arg2: memref<2500x128xi32, #tpu.memory_space<hbm>>, %arg3: memref<32x10240xf32, #tpu.memory_space<hbm>>, %arg4: memref<10240xf32, #tpu.memory_space<vmem>>, %arg5: memref<80x128xi32, #tpu.memory_space<vmem>>) attributes {dimension_semantics = [#tpu.dimension_semantics<core_parallel>, #tpu.dimension_semantics<subcore_parallel>], iteration_bounds = array<i64: 2, 16>, scalar_prefetch = 0 : i64, scratch_operands = 2 : i64, tpu.core_type = #tpu.core_type<sc_vector_subcore>, window_params = [{transform_indices = #map}, {transform_indices = #map}]} {
    %mul3A = arith.constant 16 : i32
    %mul3A_0 = arith.muli %arg0, %mul3A : i32
    %add3A = arith.addi %mul3A_0, %arg1 : i32
    %mul3A_1 = arith.constant 80 : i32
    %mul3A_2 = arith.muli %mul3A_1, %add3A : i32
    %jit3A = arith.constant 4 : i32
    %div3A = arith.divsi %add3A, %jit3A : i32
    %sign3A = arith.constant 0 : i32
    %sign3A_3 = arith.cmpi sgt, %add3A, %sign3A : i32
    %sign3A_4 = arith.extui %sign3A_3 : i1 to i32
    %sign3A_5 = arith.constant 0 : i32
    %sign3A_6 = arith.cmpi slt, %add3A, %sign3A_5 : i32
    %sign3A_7 = arith.extui %sign3A_6 : i1 to i32
    %sign3A_8 = arith.subi %sign3A_4, %sign3A_7 : i32
    %sign3A_9 = arith.constant 0 : i32
    %sign3A_10 = arith.cmpi sgt, %jit3A, %sign3A_9 : i32
    %sign3A_11 = arith.extui %sign3A_10 : i1 to i32
    %sign3A_12 = arith.constant 0 : i32
    %sign3A_13 = arith.cmpi slt, %jit3A, %sign3A_12 : i32
    %sign3A_14 = arith.extui %sign3A_13 : i1 to i32
    %sign3A_15 = arith.subi %sign3A_11, %sign3A_14 : i32
    %ne3A = arith.cmpi ne, %sign3A_8, %sign3A_15 : i32
    %rem3A = arith.remsi %add3A, %jit3A : i32
    %ne3A_16 = arith.constant 0 : i32
    %ne3A_17 = arith.cmpi ne, %rem3A, %ne3A_16 : i32
    %and3A = arith.andi %ne3A, %ne3A_17 : i1
    %sub3A = arith.constant 1 : i32
    %sub3A_18 = arith.subi %div3A, %sub3A : i32
    %select_n3A = arith.select %and3A, %sub3A_18, %div3A : i32
    %mul3A_19 = arith.constant 8 : i32
    %mul3A_20 = arith.muli %mul3A_19, %select_n3A : i32
    %sub3A_21 = arith.subi %mul3A_2, %mul3A_20 : i32
    %jit3A_22 = arith.constant 4 : i32
    %eq3A = arith.constant 0 : i32
    %eq3A_23 = arith.cmpi eq, %jit3A_22, %eq3A : i32
    %jit3A_24 = arith.constant 1 : i32
    %select_n3A_25 = arith.select %eq3A_23, %jit3A_24, %jit3A_22 : i32
    %rem3A_26 = arith.remsi %add3A, %select_n3A_25 : i32
    %ne3A_27 = arith.constant 0 : i32
    %ne3A_28 = arith.cmpi ne, %rem3A_26, %ne3A_27 : i32
    %lt3A = arith.constant 0 : i32
    %lt3A_29 = arith.cmpi slt, %rem3A_26, %lt3A : i32
    %lt3A_30 = arith.constant 0 : i32
    %lt3A_31 = arith.cmpi slt, %select_n3A_25, %lt3A_30 : i32
    %ne3A_32 = arith.xori %lt3A_29, %lt3A_31 : i1
    %and3A_33 = arith.andi %ne3A_32, %ne3A_28 : i1
    %add3A_34 = arith.addi %rem3A_26, %select_n3A_25 : i32
    %select_n3A_35 = arith.select %and3A_33, %add3A_34, %rem3A_26 : i32
    %lt3A_36 = arith.constant 3 : i32
    %lt3A_37 = arith.cmpi slt, %select_n3A_35, %lt3A_36 : i32
    %jit3A_38 = arith.constant 80 : i32
    %jit3A_39 = arith.constant 72 : i32
    %select_n3A_40 = arith.select %lt3A_37, %jit3A_38, %jit3A_39 : i32
    %eq3A_41 = arith.constant 31 : i32
    %eq3A_42 = arith.cmpi eq, %add3A, %eq3A_41 : i32
    %jit3A_43 = arith.constant 4 : i32
    %jit3A_44 = arith.constant 0 : i32
    %select_n3A_45 = arith.select %eq3A_42, %jit3A_43, %jit3A_44 : i32
    %add3A_46 = arith.addi %select_n3A_40, %select_n3A_45 : i32
    %broadcast_in_dim3A = arith.constant 0.000000e+00 : f32
    %broadcast_in_dim3A_47 = vector.broadcast %broadcast_in_dim3A : f32 to vector<16xf32>
    %scan3A = arith.constant 0 : i32
    %scan3A_48 = arith.constant 0 : i32
    %scan3A_49 = arith.constant 640 : i32
    %scan3A_50 = arith.addi %scan3A_48, %scan3A_49 : i32
    %scan3A_51 = arith.constant 1 : i32
    %scan3A_52 = scf.for %scan3A_75 = %scan3A_48 to %scan3A_50 step %scan3A_51 iter_args(%scan3A_76 = %scan3A) -> (i32)  : i32 {
      %mul3A_77 = arith.constant 16 : i32
      %mul3A_78 = arith.muli %scan3A_75, %mul3A_77 : i32
      %swap3A = arith.index_cast %mul3A_78 : i32 to index
      %swap3A_79 = tpu.vector_load %arg4[%swap3A] {strides = array<i32>} : memref<10240xf32, #tpu.memory_space<vmem>>, vector<16xf32>,
      tpu.vector_store %arg4[%swap3A], %broadcast_in_dim3A_47 {strides = array<i32>} : memref<10240xf32, #tpu.memory_space<vmem>>, vector<16xf32>,
      %scan3A_80 = arith.constant 0 : i32
      scf.yield %scan3A_80 : i32
    }
    %scan3A_53 = arith.constant 640 : i32
    "tpu.region"() ({
      %run_scoped3A = tpu.sem_alloc : memref<!tpu.dma_semaphore, #tpu.memory_space<semaphore_mem>>
      %dma_start3A = arith.constant 0 : i32
      %dma_start3A_75 = arith.constant 0 : i32
      %dma_start3A_76 = tpu.memref_slice %arg5[%dma_start3A, %dma_start3A_75] : memref<80x128xi32, #tpu.memory_space<vmem>> -> memref<72x128xi32, #tpu.memory_space<vmem>>
      %dma_start3A_77 = arith.constant 0 : i32
      %dma_start3A_78 = tpu.memref_slice %arg2[%sub3A_21, %dma_start3A_77] : memref<2500x128xi32, #tpu.memory_space<hbm>> -> memref<72x128xi32, #tpu.memory_space<hbm>>
      %dma_start3A_79 = arith.constant 0 : i32
      %dma_start3A_80 = arith.constant 0 : i32
      %dma_start3A_81 = tpu.memref_slice %arg5[%dma_start3A_79, %dma_start3A_80] : memref<80x128xi32, #tpu.memory_space<vmem>> -> memref<72x128xi32, #tpu.memory_space<vmem>>
      %dma_start3A_82 = arith.constant 0 : i32
      %dma_start3A_83 = tpu.memref_slice %arg2[%sub3A_21, %dma_start3A_82] : memref<2500x128xi32, #tpu.memory_space<hbm>> -> memref<72x128xi32, #tpu.memory_space<hbm>>
      tpu.enqueue_dma source(%dma_start3A_83 : memref<72x128xi32, #tpu.memory_space<hbm>>) target(%dma_start3A_81 : memref<72x128xi32, #tpu.memory_space<vmem>>) target_semaphore(%run_scoped3A : memref<!tpu.dma_semaphore, #tpu.memory_space<semaphore_mem>>)
      %dma_wait3A = arith.constant 0 : i32
      %dma_wait3A_84 = arith.constant 0 : i32
      %dma_wait3A_85 = tpu.memref_slice %arg5[%dma_wait3A, %dma_wait3A_84] : memref<80x128xi32, #tpu.memory_space<vmem>> -> memref<72x128xi32, #tpu.memory_space<vmem>>
      %dma_wait3A_86 = arith.constant 0 : i32
      %dma_wait3A_87 = tpu.memref_slice %arg2[%sub3A_21, %dma_wait3A_86] : memref<2500x128xi32, #tpu.memory_space<hbm>> -> memref<72x128xi32, #tpu.memory_space<hbm>>
      %dma_wait3A_88 = arith.constant 0 : i32
      %dma_wait3A_89 = arith.constant 0 : i32
      %dma_wait3A_90 = tpu.memref_slice %arg5[%dma_wait3A_88, %dma_wait3A_89] : memref<80x128xi32, #tpu.memory_space<vmem>> -> memref<72x128xi32, #tpu.memory_space<vmem>>
      %dma_wait3A_91 = arith.constant 0 : i32
      %dma_wait3A_92 = tpu.memref_slice %arg2[%sub3A_21, %dma_wait3A_91] : memref<2500x128xi32, #tpu.memory_space<hbm>> -> memref<72x128xi32, #tpu.memory_space<hbm>>
      tpu.wait_dma2 semaphore(%run_scoped3A : memref<!tpu.dma_semaphore, #tpu.memory_space<semaphore_mem>>) src(%dma_wait3A_92 : memref<72x128xi32, #tpu.memory_space<hbm>>) dst(%dma_wait3A_90 : memref<72x128xi32, #tpu.memory_space<vmem>>)
      tpu.yield
    }) : () -> ()
    %convert_element_type3A = arith.extui %lt3A_37 : i1 to i32
    %cond3A = arith.constant 0 : i32
    %cond3A_54 = arith.cmpi ne, %convert_element_type3A, %cond3A : i32
    scf.if %cond3A_54 {
      %add3A_75 = arith.constant 72 : i32
      %add3A_76 = arith.addi %sub3A_21, %add3A_75 : i32
      "tpu.region"() ({
        %run_scoped3A = tpu.sem_alloc : memref<!tpu.dma_semaphore, #tpu.memory_space<semaphore_mem>>
        %dma_start3A = arith.constant 72 : i32
        %dma_start3A_77 = arith.constant 0 : i32
        %dma_start3A_78 = tpu.memref_slice %arg5[%dma_start3A, %dma_start3A_77] : memref<80x128xi32, #tpu.memory_space<vmem>> -> memref<8x128xi32, #tpu.memory_space<vmem>>
        %dma_start3A_79 = arith.constant 0 : i32
        %dma_start3A_80 = tpu.memref_slice %arg2[%add3A_76, %dma_start3A_79] : memref<2500x128xi32, #tpu.memory_space<hbm>> -> memref<8x128xi32, #tpu.memory_space<hbm>>
        %dma_start3A_81 = arith.constant 72 : i32
        %dma_start3A_82 = arith.constant 0 : i32
        %dma_start3A_83 = tpu.memref_slice %arg5[%dma_start3A_81, %dma_start3A_82] : memref<80x128xi32, #tpu.memory_space<vmem>> -> memref<8x128xi32, #tpu.memory_space<vmem>>
        %dma_start3A_84 = arith.constant 0 : i32
        %dma_start3A_85 = tpu.memref_slice %arg2[%add3A_76, %dma_start3A_84] : memref<2500x128xi32, #tpu.memory_space<hbm>> -> memref<8x128xi32, #tpu.memory_space<hbm>>
        tpu.enqueue_dma source(%dma_start3A_85 : memref<8x128xi32, #tpu.memory_space<hbm>>) target(%dma_start3A_83 : memref<8x128xi32, #tpu.memory_space<vmem>>) target_semaphore(%run_scoped3A : memref<!tpu.dma_semaphore, #tpu.memory_space<semaphore_mem>>)
        %dma_wait3A = arith.constant 72 : i32
        %dma_wait3A_86 = arith.constant 0 : i32
        %dma_wait3A_87 = tpu.memref_slice %arg5[%dma_wait3A, %dma_wait3A_86] : memref<80x128xi32, #tpu.memory_space<vmem>> -> memref<8x128xi32, #tpu.memory_space<vmem>>
        %dma_wait3A_88 = arith.constant 0 : i32
        %dma_wait3A_89 = tpu.memref_slice %arg2[%add3A_76, %dma_wait3A_88] : memref<2500x128xi32, #tpu.memory_space<hbm>> -> memref<8x128xi32, #tpu.memory_space<hbm>>
        %dma_wait3A_90 = arith.constant 72 : i32
        %dma_wait3A_91 = arith.constant 0 : i32
        %dma_wait3A_92 = tpu.memref_slice %arg5[%dma_wait3A_90, %dma_wait3A_91] : memref<80x128xi32, #tpu.memory_space<vmem>> -> memref<8x128xi32, #tpu.memory_space<vmem>>
        %dma_wait3A_93 = arith.constant 0 : i32
        %dma_wait3A_94 = tpu.memref_slice %arg2[%add3A_76, %dma_wait3A_93] : memref<2500x128xi32, #tpu.memory_space<hbm>> -> memref<8x128xi32, #tpu.memory_space<hbm>>
        tpu.wait_dma2 semaphore(%run_scoped3A : memref<!tpu.dma_semaphore, #tpu.memory_space<semaphore_mem>>) src(%dma_wait3A_94 : memref<8x128xi32, #tpu.memory_space<hbm>>) dst(%dma_wait3A_92 : memref<8x128xi32, #tpu.memory_space<vmem>>)
        tpu.yield
      }) : () -> ()
    } else {
    }
    %eq3A_55 = arith.constant 31 : i32
    %eq3A_56 = arith.cmpi eq, %add3A, %eq3A_55 : i32
    %convert_element_type3A_57 = arith.extui %eq3A_56 : i1 to i32
    %cond3A_58 = arith.constant 0 : i32
    %cond3A_59 = arith.cmpi ne, %convert_element_type3A_57, %cond3A_58 : i32
    scf.if %cond3A_59 {
      %add3A_75 = arith.constant 72 : i32
      %add3A_76 = arith.addi %sub3A_21, %add3A_75 : i32
      "tpu.region"() ({
        %run_scoped3A = tpu.sem_alloc : memref<!tpu.dma_semaphore, #tpu.memory_space<semaphore_mem>>
        %dma_start3A = arith.constant 72 : i32
        %dma_start3A_77 = arith.constant 0 : i32
        %dma_start3A_78 = tpu.memref_slice %arg5[%dma_start3A, %dma_start3A_77] : memref<80x128xi32, #tpu.memory_space<vmem>> -> memref<4x128xi32, #tpu.memory_space<vmem>>
        %dma_start3A_79 = arith.constant 0 : i32
        %dma_start3A_80 = tpu.memref_slice %arg2[%add3A_76, %dma_start3A_79] : memref<2500x128xi32, #tpu.memory_space<hbm>> -> memref<4x128xi32, #tpu.memory_space<hbm>>
        %dma_start3A_81 = arith.constant 72 : i32
        %dma_start3A_82 = arith.constant 0 : i32
        %dma_start3A_83 = tpu.memref_slice %arg5[%dma_start3A_81, %dma_start3A_82] : memref<80x128xi32, #tpu.memory_space<vmem>> -> memref<4x128xi32, #tpu.memory_space<vmem>>
        %dma_start3A_84 = arith.constant 0 : i32
        %dma_start3A_85 = tpu.memref_slice %arg2[%add3A_76, %dma_start3A_84] : memref<2500x128xi32, #tpu.memory_space<hbm>> -> memref<4x128xi32, #tpu.memory_space<hbm>>
        tpu.enqueue_dma source(%dma_start3A_85 : memref<4x128xi32, #tpu.memory_space<hbm>>) target(%dma_start3A_83 : memref<4x128xi32, #tpu.memory_space<vmem>>) target_semaphore(%run_scoped3A : memref<!tpu.dma_semaphore, #tpu.memory_space<semaphore_mem>>)
        %dma_wait3A = arith.constant 72 : i32
        %dma_wait3A_86 = arith.constant 0 : i32
        %dma_wait3A_87 = tpu.memref_slice %arg5[%dma_wait3A, %dma_wait3A_86] : memref<80x128xi32, #tpu.memory_space<vmem>> -> memref<4x128xi32, #tpu.memory_space<vmem>>
        %dma_wait3A_88 = arith.constant 0 : i32
        %dma_wait3A_89 = tpu.memref_slice %arg2[%add3A_76, %dma_wait3A_88] : memref<2500x128xi32, #tpu.memory_space<hbm>> -> memref<4x128xi32, #tpu.memory_space<hbm>>
        %dma_wait3A_90 = arith.constant 72 : i32
        %dma_wait3A_91 = arith.constant 0 : i32
        %dma_wait3A_92 = tpu.memref_slice %arg5[%dma_wait3A_90, %dma_wait3A_91] : memref<80x128xi32, #tpu.memory_space<vmem>> -> memref<4x128xi32, #tpu.memory_space<vmem>>
        %dma_wait3A_93 = arith.constant 0 : i32
        %dma_wait3A_94 = tpu.memref_slice %arg2[%add3A_76, %dma_wait3A_93] : memref<2500x128xi32, #tpu.memory_space<hbm>> -> memref<4x128xi32, #tpu.memory_space<hbm>>
        tpu.wait_dma2 semaphore(%run_scoped3A : memref<!tpu.dma_semaphore, #tpu.memory_space<semaphore_mem>>) src(%dma_wait3A_94 : memref<4x128xi32, #tpu.memory_space<hbm>>) dst(%dma_wait3A_92 : memref<4x128xi32, #tpu.memory_space<vmem>>)
        tpu.yield
      }) : () -> ()
    } else {
    }
    %broadcast_in_dim3A_60 = arith.constant 1.000000e+00 : f32
    %broadcast_in_dim3A_61 = vector.broadcast %broadcast_in_dim3A_60 : f32 to vector<16xf32>
    %mul3A_62 = arith.constant 8 : i32
    %mul3A_63 = arith.muli %add3A_46, %mul3A_62 : i32
    %while3A = arith.constant 0 : i32
    %while3A_64 = arith.constant 0 : i32
    %while3A_65 = arith.subi %mul3A_63, %while3A : i32
    %while3A_66 = arith.addi %while3A, %while3A_65 : i32
    %while3A_67 = arith.constant 1 : i32
    %while3A_68 = arith.divsi %while3A_65, %while3A_67 : i32
    %while3A_69 = arith.muli %while3A_68, %while3A_67 : i32
    %while3A_70 = arith.addi %while3A, %while3A_69 : i32
    %while3A_71 = arith.constant 1 : i32
    %while3A_72 = scf.for %while3A_75 = %while3A to %while3A_70 step %while3A_71 iter_args(%while3A_76 = %while3A_64) -> (i32)  : i32 {
      %jit3A_77 = arith.constant 8 : i32
      %div3A_78 = arith.divsi %while3A_75, %jit3A_77 : i32
      %sign3A_79 = arith.constant 0 : i32
      %sign3A_80 = arith.cmpi sgt, %while3A_75, %sign3A_79 : i32
      %sign3A_81 = arith.extui %sign3A_80 : i1 to i32
      %sign3A_82 = arith.constant 0 : i32
      %sign3A_83 = arith.cmpi slt, %while3A_75, %sign3A_82 : i32
      %sign3A_84 = arith.extui %sign3A_83 : i1 to i32
      %sign3A_85 = arith.subi %sign3A_81, %sign3A_84 : i32
      %sign3A_86 = arith.constant 0 : i32
      %sign3A_87 = arith.cmpi sgt, %jit3A_77, %sign3A_86 : i32
      %sign3A_88 = arith.extui %sign3A_87 : i1 to i32
      %sign3A_89 = arith.constant 0 : i32
      %sign3A_90 = arith.cmpi slt, %jit3A_77, %sign3A_89 : i32
      %sign3A_91 = arith.extui %sign3A_90 : i1 to i32
      %sign3A_92 = arith.subi %sign3A_88, %sign3A_91 : i32
      %ne3A_93 = arith.cmpi ne, %sign3A_85, %sign3A_92 : i32
      %rem3A_94 = arith.remsi %while3A_75, %jit3A_77 : i32
      %ne3A_95 = arith.constant 0 : i32
      %ne3A_96 = arith.cmpi ne, %rem3A_94, %ne3A_95 : i32
      %and3A_97 = arith.andi %ne3A_93, %ne3A_96 : i1
      %sub3A_98 = arith.constant 1 : i32
      %sub3A_99 = arith.subi %div3A_78, %sub3A_98 : i32
      %select_n3A_100 = arith.select %and3A_97, %sub3A_99, %div3A_78 : i32
      %jit3A_101 = arith.constant 8 : i32
      %eq3A_102 = arith.constant 0 : i32
      %eq3A_103 = arith.cmpi eq, %jit3A_101, %eq3A_102 : i32
      %jit3A_104 = arith.constant 1 : i32
      %select_n3A_105 = arith.select %eq3A_103, %jit3A_104, %jit3A_101 : i32
      %rem3A_106 = arith.remsi %while3A_75, %select_n3A_105 : i32
      %ne3A_107 = arith.constant 0 : i32
      %ne3A_108 = arith.cmpi ne, %rem3A_106, %ne3A_107 : i32
      %lt3A_109 = arith.constant 0 : i32
      %lt3A_110 = arith.cmpi slt, %rem3A_106, %lt3A_109 : i32
      %lt3A_111 = arith.constant 0 : i32
      %lt3A_112 = arith.cmpi slt, %select_n3A_105, %lt3A_111 : i32
      %ne3A_113 = arith.xori %lt3A_110, %lt3A_112 : i1
      %and3A_114 = arith.andi %ne3A_113, %ne3A_108 : i1
      %add3A_115 = arith.addi %rem3A_106, %select_n3A_105 : i32
      %select_n3A_116 = arith.select %and3A_114, %add3A_115, %rem3A_106 : i32
      %mul3A_117 = arith.constant 16 : i32
      %mul3A_118 = arith.muli %select_n3A_116, %mul3A_117 : i32
      %get3A = arith.index_cast %select_n3A_100 : i32 to index
      %get3A_119 = arith.index_cast %mul3A_118 : i32 to index
      %get3A_120 = tpu.vector_load %arg5[%get3A, %get3A_119] {strides = array<i32>} : memref<80x128xi32, #tpu.memory_space<vmem>>, vector<16xi32>,
      tpu.vector_store_idx %arg4[%get3A_120], %broadcast_in_dim3A_61 {add = true} : memref<10240xf32, #tpu.memory_space<vmem>>[vector<16xi32>], vector<16xf32>,
      %while3A_121 = arith.constant 0 : i32
      scf.yield %while3A_121 : i32
    }
    %while3A_73 = arith.constant 1 : i32
    %while3A_74 = scf.for %while3A_75 = %while3A_70 to %while3A_66 step %while3A_73 iter_args(%while3A_76 = %while3A_72) -> (i32)  : i32 {
      %jit3A_77 = arith.constant 8 : i32
      %div3A_78 = arith.divsi %while3A_75, %jit3A_77 : i32
      %sign3A_79 = arith.constant 0 : i32
      %sign3A_80 = arith.cmpi sgt, %while3A_75, %sign3A_79 : i32
      %sign3A_81 = arith.extui %sign3A_80 : i1 to i32
      %sign3A_82 = arith.constant 0 : i32
      %sign3A_83 = arith.cmpi slt, %while3A_75, %sign3A_82 : i32
      %sign3A_84 = arith.extui %sign3A_83 : i1 to i32
      %sign3A_85 = arith.subi %sign3A_81, %sign3A_84 : i32
      %sign3A_86 = arith.constant 0 : i32
      %sign3A_87 = arith.cmpi sgt, %jit3A_77, %sign3A_86 : i32
      %sign3A_88 = arith.extui %sign3A_87 : i1 to i32
      %sign3A_89 = arith.constant 0 : i32
      %sign3A_90 = arith.cmpi slt, %jit3A_77, %sign3A_89 : i32
      %sign3A_91 = arith.extui %sign3A_90 : i1 to i32
      %sign3A_92 = arith.subi %sign3A_88, %sign3A_91 : i32
      %ne3A_93 = arith.cmpi ne, %sign3A_85, %sign3A_92 : i32
      %rem3A_94 = arith.remsi %while3A_75, %jit3A_77 : i32
      %ne3A_95 = arith.constant 0 : i32
      %ne3A_96 = arith.cmpi ne, %rem3A_94, %ne3A_95 : i32
      %and3A_97 = arith.andi %ne3A_93, %ne3A_96 : i1
      %sub3A_98 = arith.constant 1 : i32
      %sub3A_99 = arith.subi %div3A_78, %sub3A_98 : i32
      %select_n3A_100 = arith.select %and3A_97, %sub3A_99, %div3A_78 : i32
      %jit3A_101 = arith.constant 8 : i32
      %eq3A_102 = arith.constant 0 : i32
      %eq3A_103 = arith.cmpi eq, %jit3A_101, %eq3A_102 : i32
      %jit3A_104 = arith.constant 1 : i32
      %select_n3A_105 = arith.select %eq3A_103, %jit3A_104, %jit3A_101 : i32
      %rem3A_106 = arith.remsi %while3A_75, %select_n3A_105 : i32
      %ne3A_107 = arith.constant 0 : i32
      %ne3A_108 = arith.cmpi ne, %rem3A_106, %ne3A_107 : i32
      %lt3A_109 = arith.constant 0 : i32
      %lt3A_110 = arith.cmpi slt, %rem3A_106, %lt3A_109 : i32
      %lt3A_111 = arith.constant 0 : i32
      %lt3A_112 = arith.cmpi slt, %select_n3A_105, %lt3A_111 : i32
      %ne3A_113 = arith.xori %lt3A_110, %lt3A_112 : i1
      %and3A_114 = arith.andi %ne3A_113, %ne3A_108 : i1
      %add3A_115 = arith.addi %rem3A_106, %select_n3A_105 : i32
      %select_n3A_116 = arith.select %and3A_114, %add3A_115, %rem3A_106 : i32
      %mul3A_117 = arith.constant 16 : i32
      %mul3A_118 = arith.muli %select_n3A_116, %mul3A_117 : i32
      %get3A = arith.index_cast %select_n3A_100 : i32 to index
      %get3A_119 = arith.index_cast %mul3A_118 : i32 to index
      %get3A_120 = tpu.vector_load %arg5[%get3A, %get3A_119] {strides = array<i32>} : memref<80x128xi32, #tpu.memory_space<vmem>>, vector<16xi32>,
      tpu.vector_store_idx %arg4[%get3A_120], %broadcast_in_dim3A_61 {add = true} : memref<10240xf32, #tpu.memory_space<vmem>>[vector<16xi32>], vector<16xf32>,
      %while3A_121 = arith.constant 0 : i32
      scf.yield %while3A_121 : i32
    }
    "tpu.region"() ({
      %run_scoped3A = tpu.sem_alloc : memref<!tpu.dma_semaphore, #tpu.memory_space<semaphore_mem>>
      %dma_start3A = arith.constant 0 : i32
      %dma_start3A_75 = tpu.memref_slice %arg3[%add3A, %dma_start3A] : memref<32x10240xf32, #tpu.memory_space<hbm>> -> memref<1x10240xf32, #tpu.memory_space<hbm>>
      %dma_start3A_76 = tpu.memref_squeeze %dma_start3A_75 : memref<1x10240xf32, #tpu.memory_space<hbm>> -> memref<10240xf32, #tpu.memory_space<hbm>>
      %dma_start3A_77 = arith.constant 0 : i32
      %dma_start3A_78 = tpu.memref_slice %arg3[%add3A, %dma_start3A_77] : memref<32x10240xf32, #tpu.memory_space<hbm>> -> memref<1x10240xf32, #tpu.memory_space<hbm>>
      %dma_start3A_79 = tpu.memref_squeeze %dma_start3A_78 : memref<1x10240xf32, #tpu.memory_space<hbm>> -> memref<10240xf32, #tpu.memory_space<hbm>>
      tpu.enqueue_dma source(%arg4 : memref<10240xf32, #tpu.memory_space<vmem>>) target(%dma_start3A_79 : memref<10240xf32, #tpu.memory_space<hbm>>) target_semaphore(%run_scoped3A : memref<!tpu.dma_semaphore, #tpu.memory_space<semaphore_mem>>)
      %dma_wait3A = arith.constant 0 : i32
      %dma_wait3A_80 = tpu.memref_slice %arg3[%add3A, %dma_wait3A] : memref<32x10240xf32, #tpu.memory_space<hbm>> -> memref<1x10240xf32, #tpu.memory_space<hbm>>
      %dma_wait3A_81 = tpu.memref_squeeze %dma_wait3A_80 : memref<1x10240xf32, #tpu.memory_space<hbm>> -> memref<10240xf32, #tpu.memory_space<hbm>>
      %dma_wait3A_82 = arith.constant 0 : i32
      %dma_wait3A_83 = tpu.memref_slice %arg3[%add3A, %dma_wait3A_82] : memref<32x10240xf32, #tpu.memory_space<hbm>> -> memref<1x10240xf32, #tpu.memory_space<hbm>>
      %dma_wait3A_84 = tpu.memref_squeeze %dma_wait3A_83 : memref<1x10240xf32, #tpu.memory_space<hbm>> -> memref<10240xf32, #tpu.memory_space<hbm>>
      tpu.wait_dma2 semaphore(%run_scoped3A : memref<!tpu.dma_semaphore, #tpu.memory_space<semaphore_mem>>) src(%arg4 : memref<10240xf32, #tpu.memory_space<vmem>>) dst(%dma_wait3A_84 : memref<10240xf32, #tpu.memory_space<hbm>>)
      tpu.yield
    }) : () -> ()
    return
  }
}

#map = affine_map<(d0, d1) -> (0, 0)>
#map1 = affine_map<(d0, d1) -> (0, 0, 0)>
module attributes {stable_mosaic.version = 14 : i64} {
  func.func @_sc_scatter(%arg0: i32, %arg1: i32, %arg2: memref<2500x128xi32, #tpu.memory_space<hbm>>, %arg3: memref<2500x128xi32, #tpu.memory_space<hbm>>, %arg4: memref<10240x128xf32, #tpu.memory_space<hbm>>, %arg5: memref<10240x128xf32, #tpu.memory_space<hbm>>, %arg6: memref<2x10240x128xf32, #tpu.memory_space<hbm>>, %arg7: memref<80x128xi32, #tpu.memory_space<vmem>>, %arg8: memref<1x128xi32, #tpu.memory_space<vmem>>, %arg9: memref<1x128xi32, #tpu.memory_space<vmem>>, %arg10: memref<128x128xf32, #tpu.memory_space<vmem>>, %arg11: memref<128x128xf32, #tpu.memory_space<vmem>>, %arg12: memref<10240x128xf32, #tpu.memory_space<vmem_shared>>, %arg13: memref<!tpu.dma_semaphore, #tpu.memory_space<semaphore_mem>>, %arg14: memref<!tpu.dma_semaphore, #tpu.memory_space<semaphore_mem>>, %arg15: memref<!tpu.dma_semaphore, #tpu.memory_space<semaphore_mem>>, %arg16: memref<!tpu.dma_semaphore, #tpu.memory_space<semaphore_mem>>) attributes {dimension_semantics = [#tpu.dimension_semantics<core_parallel>, #tpu.dimension_semantics<subcore_parallel>], iteration_bounds = array<i64: 2, 16>, scalar_prefetch = 0 : i64, scratch_operands = 10 : i64, tpu.core_type = #tpu.core_type<sc_vector_subcore>, window_params = [{transform_indices = #map}, {transform_indices = #map}, {transform_indices = #map}, {transform_indices = #map}, {transform_indices = #map1}]} {
    %mul3A = arith.constant 16 : i32
    %mul3A_0 = arith.muli %arg0, %mul3A : i32
    %add3A = arith.addi %mul3A_0, %arg1 : i32
    %mul3A_1 = arith.constant 80 : i32
    %mul3A_2 = arith.muli %mul3A_1, %add3A : i32
    %jit3A = arith.constant 4 : i32
    %div3A = arith.divsi %add3A, %jit3A : i32
    %sign3A = arith.constant 0 : i32
    %sign3A_3 = arith.cmpi sgt, %add3A, %sign3A : i32
    %sign3A_4 = arith.extui %sign3A_3 : i1 to i32
    %sign3A_5 = arith.constant 0 : i32
    %sign3A_6 = arith.cmpi slt, %add3A, %sign3A_5 : i32
    %sign3A_7 = arith.extui %sign3A_6 : i1 to i32
    %sign3A_8 = arith.subi %sign3A_4, %sign3A_7 : i32
    %sign3A_9 = arith.constant 0 : i32
    %sign3A_10 = arith.cmpi sgt, %jit3A, %sign3A_9 : i32
    %sign3A_11 = arith.extui %sign3A_10 : i1 to i32
    %sign3A_12 = arith.constant 0 : i32
    %sign3A_13 = arith.cmpi slt, %jit3A, %sign3A_12 : i32
    %sign3A_14 = arith.extui %sign3A_13 : i1 to i32
    %sign3A_15 = arith.subi %sign3A_11, %sign3A_14 : i32
    %ne3A = arith.cmpi ne, %sign3A_8, %sign3A_15 : i32
    %rem3A = arith.remsi %add3A, %jit3A : i32
    %ne3A_16 = arith.constant 0 : i32
    %ne3A_17 = arith.cmpi ne, %rem3A, %ne3A_16 : i32
    %and3A = arith.andi %ne3A, %ne3A_17 : i1
    %sub3A = arith.constant 1 : i32
    %sub3A_18 = arith.subi %div3A, %sub3A : i32
    %select_n3A = arith.select %and3A, %sub3A_18, %div3A : i32
    %mul3A_19 = arith.constant 8 : i32
    %mul3A_20 = arith.muli %mul3A_19, %select_n3A : i32
    %sub3A_21 = arith.subi %mul3A_2, %mul3A_20 : i32
    %jit3A_22 = arith.constant 4 : i32
    %eq3A = arith.constant 0 : i32
    %eq3A_23 = arith.cmpi eq, %jit3A_22, %eq3A : i32
    %jit3A_24 = arith.constant 1 : i32
    %select_n3A_25 = arith.select %eq3A_23, %jit3A_24, %jit3A_22 : i32
    %rem3A_26 = arith.remsi %add3A, %select_n3A_25 : i32
    %ne3A_27 = arith.constant 0 : i32
    %ne3A_28 = arith.cmpi ne, %rem3A_26, %ne3A_27 : i32
    %lt3A = arith.constant 0 : i32
    %lt3A_29 = arith.cmpi slt, %rem3A_26, %lt3A : i32
    %lt3A_30 = arith.constant 0 : i32
    %lt3A_31 = arith.cmpi slt, %select_n3A_25, %lt3A_30 : i32
    %ne3A_32 = arith.xori %lt3A_29, %lt3A_31 : i1
    %and3A_33 = arith.andi %ne3A_32, %ne3A_28 : i1
    %add3A_34 = arith.addi %rem3A_26, %select_n3A_25 : i32
    %select_n3A_35 = arith.select %and3A_33, %add3A_34, %rem3A_26 : i32
    %lt3A_36 = arith.constant 3 : i32
    %lt3A_37 = arith.cmpi slt, %select_n3A_35, %lt3A_36 : i32
    %jit3A_38 = arith.constant 40 : i32
    %jit3A_39 = arith.constant 36 : i32
    %select_n3A_40 = arith.select %lt3A_37, %jit3A_38, %jit3A_39 : i32
    %eq3A_41 = arith.constant 31 : i32
    %eq3A_42 = arith.cmpi eq, %add3A, %eq3A_41 : i32
    %jit3A_43 = arith.constant 2 : i32
    %jit3A_44 = arith.constant 0 : i32
    %select_n3A_45 = arith.select %eq3A_42, %jit3A_43, %jit3A_44 : i32
    %add3A_46 = arith.addi %select_n3A_40, %select_n3A_45 : i32
    %mul3A_47 = arith.constant 640 : i32
    %mul3A_48 = arith.muli %arg1, %mul3A_47 : i32
    %mul3A_49 = arith.constant 640 : i32
    %mul3A_50 = arith.muli %arg1, %mul3A_49 : i32
    "tpu.region"() ({
      %run_scoped3A = tpu.sem_alloc : memref<!tpu.dma_semaphore, #tpu.memory_space<semaphore_mem>>
      %dma_start3A_94 = arith.constant 0 : i32
      %dma_start3A_95 = tpu.memref_slice %arg12[%mul3A_50, %dma_start3A_94] : memref<10240x128xf32, #tpu.memory_space<vmem_shared>> -> memref<640x128xf32, #tpu.memory_space<vmem_shared>>
      %dma_start3A_96 = arith.constant 0 : i32
      %dma_start3A_97 = tpu.memref_slice %arg5[%mul3A_48, %dma_start3A_96] : memref<10240x128xf32, #tpu.memory_space<hbm>> -> memref<640x128xf32, #tpu.memory_space<hbm>>
      tpu.enqueue_dma source(%dma_start3A_97 : memref<640x128xf32, #tpu.memory_space<hbm>>) target(%dma_start3A_95 : memref<640x128xf32, #tpu.memory_space<vmem_shared>>) target_semaphore(%run_scoped3A : memref<!tpu.dma_semaphore, #tpu.memory_space<semaphore_mem>>)
      %dma_wait3A = arith.constant 0 : i32
      %dma_wait3A_98 = tpu.memref_slice %arg12[%mul3A_50, %dma_wait3A] : memref<10240x128xf32, #tpu.memory_space<vmem_shared>> -> memref<640x128xf32, #tpu.memory_space<vmem_shared>>
      %dma_wait3A_99 = arith.constant 0 : i32
      %dma_wait3A_100 = tpu.memref_slice %arg5[%mul3A_48, %dma_wait3A_99] : memref<10240x128xf32, #tpu.memory_space<hbm>> -> memref<640x128xf32, #tpu.memory_space<hbm>>
      tpu.wait_dma2 semaphore(%run_scoped3A : memref<!tpu.dma_semaphore, #tpu.memory_space<semaphore_mem>>) src(%dma_wait3A_100 : memref<640x128xf32, #tpu.memory_space<hbm>>) dst(%dma_wait3A_98 : memref<640x128xf32, #tpu.memory_space<vmem_shared>>)
      tpu.yield
    }) : () -> ()
    "tpu.region"() ({
      %run_scoped3A = tpu.sem_alloc : memref<!tpu.dma_semaphore, #tpu.memory_space<semaphore_mem>>
      %dma_start3A_94 = arith.constant 0 : i32
      %dma_start3A_95 = arith.constant 0 : i32
      %dma_start3A_96 = tpu.memref_slice %arg7[%dma_start3A_94, %dma_start3A_95] : memref<80x128xi32, #tpu.memory_space<vmem>> -> memref<72x128xi32, #tpu.memory_space<vmem>>
      %dma_start3A_97 = arith.constant 0 : i32
      %dma_start3A_98 = tpu.memref_slice %arg2[%sub3A_21, %dma_start3A_97] : memref<2500x128xi32, #tpu.memory_space<hbm>> -> memref<72x128xi32, #tpu.memory_space<hbm>>
      %dma_start3A_99 = arith.constant 0 : i32
      %dma_start3A_100 = arith.constant 0 : i32
      %dma_start3A_101 = tpu.memref_slice %arg7[%dma_start3A_99, %dma_start3A_100] : memref<80x128xi32, #tpu.memory_space<vmem>> -> memref<72x128xi32, #tpu.memory_space<vmem>>
      %dma_start3A_102 = arith.constant 0 : i32
      %dma_start3A_103 = tpu.memref_slice %arg2[%sub3A_21, %dma_start3A_102] : memref<2500x128xi32, #tpu.memory_space<hbm>> -> memref<72x128xi32, #tpu.memory_space<hbm>>
      tpu.enqueue_dma source(%dma_start3A_103 : memref<72x128xi32, #tpu.memory_space<hbm>>) target(%dma_start3A_101 : memref<72x128xi32, #tpu.memory_space<vmem>>) target_semaphore(%run_scoped3A : memref<!tpu.dma_semaphore, #tpu.memory_space<semaphore_mem>>)
      %dma_wait3A = arith.constant 0 : i32
      %dma_wait3A_104 = arith.constant 0 : i32
      %dma_wait3A_105 = tpu.memref_slice %arg7[%dma_wait3A, %dma_wait3A_104] : memref<80x128xi32, #tpu.memory_space<vmem>> -> memref<72x128xi32, #tpu.memory_space<vmem>>
      %dma_wait3A_106 = arith.constant 0 : i32
      %dma_wait3A_107 = tpu.memref_slice %arg2[%sub3A_21, %dma_wait3A_106] : memref<2500x128xi32, #tpu.memory_space<hbm>> -> memref<72x128xi32, #tpu.memory_space<hbm>>
      %dma_wait3A_108 = arith.constant 0 : i32
      %dma_wait3A_109 = arith.constant 0 : i32
      %dma_wait3A_110 = tpu.memref_slice %arg7[%dma_wait3A_108, %dma_wait3A_109] : memref<80x128xi32, #tpu.memory_space<vmem>> -> memref<72x128xi32, #tpu.memory_space<vmem>>
      %dma_wait3A_111 = arith.constant 0 : i32
      %dma_wait3A_112 = tpu.memref_slice %arg2[%sub3A_21, %dma_wait3A_111] : memref<2500x128xi32, #tpu.memory_space<hbm>> -> memref<72x128xi32, #tpu.memory_space<hbm>>
      tpu.wait_dma2 semaphore(%run_scoped3A : memref<!tpu.dma_semaphore, #tpu.memory_space<semaphore_mem>>) src(%dma_wait3A_112 : memref<72x128xi32, #tpu.memory_space<hbm>>) dst(%dma_wait3A_110 : memref<72x128xi32, #tpu.memory_space<vmem>>)
      tpu.yield
    }) : () -> ()
    %convert_element_type3A = arith.extui %lt3A_37 : i1 to i32
    %cond3A = arith.constant 0 : i32
    %cond3A_51 = arith.cmpi ne, %convert_element_type3A, %cond3A : i32
    scf.if %cond3A_51 {
      %add3A_94 = arith.constant 72 : i32
      %add3A_95 = arith.addi %sub3A_21, %add3A_94 : i32
      "tpu.region"() ({
        %run_scoped3A = tpu.sem_alloc : memref<!tpu.dma_semaphore, #tpu.memory_space<semaphore_mem>>
        %dma_start3A_96 = arith.constant 72 : i32
        %dma_start3A_97 = arith.constant 0 : i32
        %dma_start3A_98 = tpu.memref_slice %arg7[%dma_start3A_96, %dma_start3A_97] : memref<80x128xi32, #tpu.memory_space<vmem>> -> memref<8x128xi32, #tpu.memory_space<vmem>>
        %dma_start3A_99 = arith.constant 0 : i32
        %dma_start3A_100 = tpu.memref_slice %arg2[%add3A_95, %dma_start3A_99] : memref<2500x128xi32, #tpu.memory_space<hbm>> -> memref<8x128xi32, #tpu.memory_space<hbm>>
        %dma_start3A_101 = arith.constant 72 : i32
        %dma_start3A_102 = arith.constant 0 : i32
        %dma_start3A_103 = tpu.memref_slice %arg7[%dma_start3A_101, %dma_start3A_102] : memref<80x128xi32, #tpu.memory_space<vmem>> -> memref<8x128xi32, #tpu.memory_space<vmem>>
        %dma_start3A_104 = arith.constant 0 : i32
        %dma_start3A_105 = tpu.memref_slice %arg2[%add3A_95, %dma_start3A_104] : memref<2500x128xi32, #tpu.memory_space<hbm>> -> memref<8x128xi32, #tpu.memory_space<hbm>>
        tpu.enqueue_dma source(%dma_start3A_105 : memref<8x128xi32, #tpu.memory_space<hbm>>) target(%dma_start3A_103 : memref<8x128xi32, #tpu.memory_space<vmem>>) target_semaphore(%run_scoped3A : memref<!tpu.dma_semaphore, #tpu.memory_space<semaphore_mem>>)
        %dma_wait3A = arith.constant 72 : i32
        %dma_wait3A_106 = arith.constant 0 : i32
        %dma_wait3A_107 = tpu.memref_slice %arg7[%dma_wait3A, %dma_wait3A_106] : memref<80x128xi32, #tpu.memory_space<vmem>> -> memref<8x128xi32, #tpu.memory_space<vmem>>
        %dma_wait3A_108 = arith.constant 0 : i32
        %dma_wait3A_109 = tpu.memref_slice %arg2[%add3A_95, %dma_wait3A_108] : memref<2500x128xi32, #tpu.memory_space<hbm>> -> memref<8x128xi32, #tpu.memory_space<hbm>>
        %dma_wait3A_110 = arith.constant 72 : i32
        %dma_wait3A_111 = arith.constant 0 : i32
        %dma_wait3A_112 = tpu.memref_slice %arg7[%dma_wait3A_110, %dma_wait3A_111] : memref<80x128xi32, #tpu.memory_space<vmem>> -> memref<8x128xi32, #tpu.memory_space<vmem>>
        %dma_wait3A_113 = arith.constant 0 : i32
        %dma_wait3A_114 = tpu.memref_slice %arg2[%add3A_95, %dma_wait3A_113] : memref<2500x128xi32, #tpu.memory_space<hbm>> -> memref<8x128xi32, #tpu.memory_space<hbm>>
        tpu.wait_dma2 semaphore(%run_scoped3A : memref<!tpu.dma_semaphore, #tpu.memory_space<semaphore_mem>>) src(%dma_wait3A_114 : memref<8x128xi32, #tpu.memory_space<hbm>>) dst(%dma_wait3A_112 : memref<8x128xi32, #tpu.memory_space<vmem>>)
        tpu.yield
      }) : () -> ()
    } else {
    }
    %eq3A_52 = arith.constant 31 : i32
    %eq3A_53 = arith.cmpi eq, %add3A, %eq3A_52 : i32
    %convert_element_type3A_54 = arith.extui %eq3A_53 : i1 to i32
    %cond3A_55 = arith.constant 0 : i32
    %cond3A_56 = arith.cmpi ne, %convert_element_type3A_54, %cond3A_55 : i32
    scf.if %cond3A_56 {
      %add3A_94 = arith.constant 72 : i32
      %add3A_95 = arith.addi %sub3A_21, %add3A_94 : i32
      "tpu.region"() ({
        %run_scoped3A = tpu.sem_alloc : memref<!tpu.dma_semaphore, #tpu.memory_space<semaphore_mem>>
        %dma_start3A_96 = arith.constant 72 : i32
        %dma_start3A_97 = arith.constant 0 : i32
        %dma_start3A_98 = tpu.memref_slice %arg7[%dma_start3A_96, %dma_start3A_97] : memref<80x128xi32, #tpu.memory_space<vmem>> -> memref<4x128xi32, #tpu.memory_space<vmem>>
        %dma_start3A_99 = arith.constant 0 : i32
        %dma_start3A_100 = tpu.memref_slice %arg2[%add3A_95, %dma_start3A_99] : memref<2500x128xi32, #tpu.memory_space<hbm>> -> memref<4x128xi32, #tpu.memory_space<hbm>>
        %dma_start3A_101 = arith.constant 72 : i32
        %dma_start3A_102 = arith.constant 0 : i32
        %dma_start3A_103 = tpu.memref_slice %arg7[%dma_start3A_101, %dma_start3A_102] : memref<80x128xi32, #tpu.memory_space<vmem>> -> memref<4x128xi32, #tpu.memory_space<vmem>>
        %dma_start3A_104 = arith.constant 0 : i32
        %dma_start3A_105 = tpu.memref_slice %arg2[%add3A_95, %dma_start3A_104] : memref<2500x128xi32, #tpu.memory_space<hbm>> -> memref<4x128xi32, #tpu.memory_space<hbm>>
        tpu.enqueue_dma source(%dma_start3A_105 : memref<4x128xi32, #tpu.memory_space<hbm>>) target(%dma_start3A_103 : memref<4x128xi32, #tpu.memory_space<vmem>>) target_semaphore(%run_scoped3A : memref<!tpu.dma_semaphore, #tpu.memory_space<semaphore_mem>>)
        %dma_wait3A = arith.constant 72 : i32
        %dma_wait3A_106 = arith.constant 0 : i32
        %dma_wait3A_107 = tpu.memref_slice %arg7[%dma_wait3A, %dma_wait3A_106] : memref<80x128xi32, #tpu.memory_space<vmem>> -> memref<4x128xi32, #tpu.memory_space<vmem>>
        %dma_wait3A_108 = arith.constant 0 : i32
        %dma_wait3A_109 = tpu.memref_slice %arg2[%add3A_95, %dma_wait3A_108] : memref<2500x128xi32, #tpu.memory_space<hbm>> -> memref<4x128xi32, #tpu.memory_space<hbm>>
        %dma_wait3A_110 = arith.constant 72 : i32
        %dma_wait3A_111 = arith.constant 0 : i32
        %dma_wait3A_112 = tpu.memref_slice %arg7[%dma_wait3A_110, %dma_wait3A_111] : memref<80x128xi32, #tpu.memory_space<vmem>> -> memref<4x128xi32, #tpu.memory_space<vmem>>
        %dma_wait3A_113 = arith.constant 0 : i32
        %dma_wait3A_114 = tpu.memref_slice %arg2[%add3A_95, %dma_wait3A_113] : memref<2500x128xi32, #tpu.memory_space<hbm>> -> memref<4x128xi32, #tpu.memory_space<hbm>>
        tpu.wait_dma2 semaphore(%run_scoped3A : memref<!tpu.dma_semaphore, #tpu.memory_space<semaphore_mem>>) src(%dma_wait3A_114 : memref<4x128xi32, #tpu.memory_space<hbm>>) dst(%dma_wait3A_112 : memref<4x128xi32, #tpu.memory_space<vmem>>)
        tpu.yield
      }) : () -> ()
    } else {
    }
    %barrier3A = arith.constant 0 : index
    tpu.barrier barrier_id(%barrier3A)
    %dma_start3A = arith.constant 0 : i32
    %dma_start3A_57 = arith.constant 0 : i32
    %dma_start3A_58 = tpu.memref_slice %arg7[%dma_start3A, %dma_start3A_57] : memref<80x128xi32, #tpu.memory_space<vmem>> -> memref<1x128xi32, #tpu.memory_space<vmem>>
    %dma_start3A_59 = tpu.memref_squeeze %dma_start3A_58 : memref<1x128xi32, #tpu.memory_space<vmem>> -> memref<128xi32, #tpu.memory_space<vmem>>
    %dma_start3A_60 = arith.constant 0 : i32
    %dma_start3A_61 = arith.constant 0 : i32
    %dma_start3A_62 = tpu.memref_slice %arg4[%dma_start3A_60, %dma_start3A_61] : memref<10240x128xf32, #tpu.memory_space<hbm>> -> memref<10240x128xf32, #tpu.memory_space<hbm>>
    tpu.enqueue_indirect_dma source(%dma_start3A_62 : memref<10240x128xf32, #tpu.memory_space<hbm>>) target(%arg10 : memref<128x128xf32, #tpu.memory_space<vmem>>) offsets(%dma_start3A_59 : memref<128xi32, #tpu.memory_space<vmem>>) semaphore(%arg13 : memref<!tpu.dma_semaphore, #tpu.memory_space<semaphore_mem>>)
    %add3A_63 = arith.constant 0 : i32
    %add3A_64 = arith.addi %sub3A_21, %add3A_63 : i32
    %dma_start3A_65 = arith.constant 0 : i32
    %dma_start3A_66 = arith.constant 0 : i32
    %dma_start3A_67 = tpu.memref_slice %arg8[%dma_start3A_65, %dma_start3A_66] : memref<1x128xi32, #tpu.memory_space<vmem>> -> memref<1x128xi32, #tpu.memory_space<vmem>>
    %dma_start3A_68 = tpu.memref_squeeze %dma_start3A_67 : memref<1x128xi32, #tpu.memory_space<vmem>> -> memref<128xi32, #tpu.memory_space<vmem>>
    %dma_start3A_69 = arith.constant 0 : i32
    %dma_start3A_70 = tpu.memref_slice %arg3[%add3A_64, %dma_start3A_69] : memref<2500x128xi32, #tpu.memory_space<hbm>> -> memref<1x128xi32, #tpu.memory_space<hbm>>
    %dma_start3A_71 = tpu.memref_squeeze %dma_start3A_70 : memref<1x128xi32, #tpu.memory_space<hbm>> -> memref<128xi32, #tpu.memory_space<hbm>>
    %dma_start3A_72 = arith.constant 0 : i32
    %dma_start3A_73 = tpu.memref_slice %arg8[%dma_start3A_65, %dma_start3A_72] : memref<1x128xi32, #tpu.memory_space<vmem>> -> memref<1x128xi32, #tpu.memory_space<vmem>>
    %dma_start3A_74 = tpu.memref_squeeze %dma_start3A_73 : memref<1x128xi32, #tpu.memory_space<vmem>> -> memref<128xi32, #tpu.memory_space<vmem>>
    %dma_start3A_75 = arith.constant 0 : i32
    %dma_start3A_76 = tpu.memref_slice %arg3[%add3A_64, %dma_start3A_75] : memref<2500x128xi32, #tpu.memory_space<hbm>> -> memref<1x128xi32, #tpu.memory_space<hbm>>
    %dma_start3A_77 = tpu.memref_squeeze %dma_start3A_76 : memref<1x128xi32, #tpu.memory_space<hbm>> -> memref<128xi32, #tpu.memory_space<hbm>>
    tpu.enqueue_dma source(%dma_start3A_77 : memref<128xi32, #tpu.memory_space<hbm>>) target(%dma_start3A_74 : memref<128xi32, #tpu.memory_space<vmem>>) target_semaphore(%arg15 : memref<!tpu.dma_semaphore, #tpu.memory_space<semaphore_mem>>)
    %while3A = arith.constant 0 : i32
    %while3A_78 = arith.constant 0 : i32
    %while3A_79 = arith.subi %add3A_46, %while3A : i32
    %while3A_80 = arith.addi %while3A, %while3A_79 : i32
    %while3A_81 = arith.constant 1 : i32
    %while3A_82 = arith.divsi %while3A_79, %while3A_81 : i32
    %while3A_83 = arith.muli %while3A_82, %while3A_81 : i32
    %while3A_84 = arith.addi %while3A, %while3A_83 : i32
    %while3A_85 = arith.constant 1 : i32
    %while3A_86 = scf.for %while3A_94 = %while3A to %while3A_84 step %while3A_85 iter_args(%while3A_95 = %while3A_78) -> (i32)  : i32 {
      %mul3A_96 = arith.constant 2 : i32
      %mul3A_97 = arith.muli %mul3A_96, %while3A_94 : i32
      %add3A_98 = arith.constant 1 : i32
      %add3A_99 = arith.addi %mul3A_97, %add3A_98 : i32
      %dma_start3A_100 = arith.constant 0 : i32
      %dma_start3A_101 = tpu.memref_slice %arg7[%add3A_99, %dma_start3A_100] : memref<80x128xi32, #tpu.memory_space<vmem>> -> memref<1x128xi32, #tpu.memory_space<vmem>>
      %dma_start3A_102 = tpu.memref_squeeze %dma_start3A_101 : memref<1x128xi32, #tpu.memory_space<vmem>> -> memref<128xi32, #tpu.memory_space<vmem>>
      %dma_start3A_103 = arith.constant 0 : i32
      %dma_start3A_104 = arith.constant 0 : i32
      %dma_start3A_105 = tpu.memref_slice %arg4[%dma_start3A_103, %dma_start3A_104] : memref<10240x128xf32, #tpu.memory_space<hbm>> -> memref<10240x128xf32, #tpu.memory_space<hbm>>
      tpu.enqueue_indirect_dma source(%dma_start3A_105 : memref<10240x128xf32, #tpu.memory_space<hbm>>) target(%arg11 : memref<128x128xf32, #tpu.memory_space<vmem>>) offsets(%dma_start3A_102 : memref<128xi32, #tpu.memory_space<vmem>>) semaphore(%arg14 : memref<!tpu.dma_semaphore, #tpu.memory_space<semaphore_mem>>)
      %add3A_106 = arith.addi %sub3A_21, %add3A_99 : i32
      %dma_start3A_107 = arith.constant 0 : i32
      %dma_start3A_108 = arith.constant 0 : i32
      %dma_start3A_109 = tpu.memref_slice %arg9[%dma_start3A_107, %dma_start3A_108] : memref<1x128xi32, #tpu.memory_space<vmem>> -> memref<1x128xi32, #tpu.memory_space<vmem>>
      %dma_start3A_110 = tpu.memref_squeeze %dma_start3A_109 : memref<1x128xi32, #tpu.memory_space<vmem>> -> memref<128xi32, #tpu.memory_space<vmem>>
      %dma_start3A_111 = arith.constant 0 : i32
      %dma_start3A_112 = tpu.memref_slice %arg3[%add3A_106, %dma_start3A_111] : memref<2500x128xi32, #tpu.memory_space<hbm>> -> memref<1x128xi32, #tpu.memory_space<hbm>>
      %dma_start3A_113 = tpu.memref_squeeze %dma_start3A_112 : memref<1x128xi32, #tpu.memory_space<hbm>> -> memref<128xi32, #tpu.memory_space<hbm>>
      %dma_start3A_114 = arith.constant 0 : i32
      %dma_start3A_115 = tpu.memref_slice %arg9[%dma_start3A_107, %dma_start3A_114] : memref<1x128xi32, #tpu.memory_space<vmem>> -> memref<1x128xi32, #tpu.memory_space<vmem>>
      %dma_start3A_116 = tpu.memref_squeeze %dma_start3A_115 : memref<1x128xi32, #tpu.memory_space<vmem>> -> memref<128xi32, #tpu.memory_space<vmem>>
      %dma_start3A_117 = arith.constant 0 : i32
      %dma_start3A_118 = tpu.memref_slice %arg3[%add3A_106, %dma_start3A_117] : memref<2500x128xi32, #tpu.memory_space<hbm>> -> memref<1x128xi32, #tpu.memory_space<hbm>>
      %dma_start3A_119 = tpu.memref_squeeze %dma_start3A_118 : memref<1x128xi32, #tpu.memory_space<hbm>> -> memref<128xi32, #tpu.memory_space<hbm>>
      tpu.enqueue_dma source(%dma_start3A_119 : memref<128xi32, #tpu.memory_space<hbm>>) target(%dma_start3A_116 : memref<128xi32, #tpu.memory_space<vmem>>) target_semaphore(%arg16 : memref<!tpu.dma_semaphore, #tpu.memory_space<semaphore_mem>>)
      %dma_wait3A = arith.constant 0 : i32
      %dma_wait3A_120 = tpu.memref_slice %arg7[%mul3A_97, %dma_wait3A] : memref<80x128xi32, #tpu.memory_space<vmem>> -> memref<1x128xi32, #tpu.memory_space<vmem>>
      %dma_wait3A_121 = tpu.memref_squeeze %dma_wait3A_120 : memref<1x128xi32, #tpu.memory_space<vmem>> -> memref<128xi32, #tpu.memory_space<vmem>>
      %dma_wait3A_122 = arith.constant 0 : i32
      %dma_wait3A_123 = arith.constant 0 : i32
      %dma_wait3A_124 = tpu.memref_slice %arg4[%dma_wait3A_122, %dma_wait3A_123] : memref<10240x128xf32, #tpu.memory_space<hbm>> -> memref<10240x128xf32, #tpu.memory_space<hbm>>
      tpu.wait_indirect_dma semaphore(%arg13 : memref<!tpu.dma_semaphore, #tpu.memory_space<semaphore_mem>>) src(%dma_wait3A_124 : memref<10240x128xf32, #tpu.memory_space<hbm>>) dst(%arg10 : memref<128x128xf32, #tpu.memory_space<vmem>>)
      %add3A_125 = arith.addi %sub3A_21, %mul3A_97 : i32
      %dma_wait3A_126 = arith.constant 0 : i32
      %dma_wait3A_127 = arith.constant 0 : i32
      %dma_wait3A_128 = tpu.memref_slice %arg8[%dma_wait3A_126, %dma_wait3A_127] : memref<1x128xi32, #tpu.memory_space<vmem>> -> memref<1x128xi32, #tpu.memory_space<vmem>>
      %dma_wait3A_129 = tpu.memref_squeeze %dma_wait3A_128 : memref<1x128xi32, #tpu.memory_space<vmem>> -> memref<128xi32, #tpu.memory_space<vmem>>
      %dma_wait3A_130 = arith.constant 0 : i32
      %dma_wait3A_131 = tpu.memref_slice %arg3[%add3A_125, %dma_wait3A_130] : memref<2500x128xi32, #tpu.memory_space<hbm>> -> memref<1x128xi32, #tpu.memory_space<hbm>>
      %dma_wait3A_132 = tpu.memref_squeeze %dma_wait3A_131 : memref<1x128xi32, #tpu.memory_space<hbm>> -> memref<128xi32, #tpu.memory_space<hbm>>
      %dma_wait3A_133 = arith.constant 0 : i32
      %dma_wait3A_134 = tpu.memref_slice %arg8[%dma_wait3A_126, %dma_wait3A_133] : memref<1x128xi32, #tpu.memory_space<vmem>> -> memref<1x128xi32, #tpu.memory_space<vmem>>
      %dma_wait3A_135 = tpu.memref_squeeze %dma_wait3A_134 : memref<1x128xi32, #tpu.memory_space<vmem>> -> memref<128xi32, #tpu.memory_space<vmem>>
      %dma_wait3A_136 = arith.constant 0 : i32
      %dma_wait3A_137 = tpu.memref_slice %arg3[%add3A_125, %dma_wait3A_136] : memref<2500x128xi32, #tpu.memory_space<hbm>> -> memref<1x128xi32, #tpu.memory_space<hbm>>
      %dma_wait3A_138 = tpu.memref_squeeze %dma_wait3A_137 : memref<1x128xi32, #tpu.memory_space<hbm>> -> memref<128xi32, #tpu.memory_space<hbm>>
      tpu.wait_dma2 semaphore(%arg15 : memref<!tpu.dma_semaphore, #tpu.memory_space<semaphore_mem>>) src(%dma_wait3A_138 : memref<128xi32, #tpu.memory_space<hbm>>) dst(%dma_wait3A_135 : memref<128xi32, #tpu.memory_space<vmem>>)
      %run_scoped3A = arith.constant 0 : i32
      "tpu.region"() ({
        %run_scoped3A_167 = tpu.sem_alloc : memref<!tpu.dma_semaphore, #tpu.memory_space<semaphore_mem>>
        %dma_start3A_168 = arith.constant 0 : i32
        %dma_start3A_169 = tpu.memref_slice %arg8[%run_scoped3A, %dma_start3A_168] : memref<1x128xi32, #tpu.memory_space<vmem>> -> memref<1x128xi32, #tpu.memory_space<vmem>>
        %dma_start3A_170 = tpu.memref_squeeze %dma_start3A_169 : memref<1x128xi32, #tpu.memory_space<vmem>> -> memref<128xi32, #tpu.memory_space<vmem>>
        %dma_start3A_171 = arith.constant 0 : i32
        %dma_start3A_172 = arith.constant 0 : i32
        %dma_start3A_173 = tpu.memref_slice %arg12[%dma_start3A_171, %dma_start3A_172] : memref<10240x128xf32, #tpu.memory_space<vmem_shared>> -> memref<10240x128xf32, #tpu.memory_space<vmem_shared>>
        tpu.enqueue_indirect_dma source(%arg10 : memref<128x128xf32, #tpu.memory_space<vmem>>) target(%dma_start3A_173 : memref<10240x128xf32, #tpu.memory_space<vmem_shared>>) offsets(%dma_start3A_170 : memref<128xi32, #tpu.memory_space<vmem>>) semaphore(%run_scoped3A_167 : memref<!tpu.dma_semaphore, #tpu.memory_space<semaphore_mem>>) {add = true}
        %dma_wait3A_174 = arith.constant 0 : i32
        %dma_wait3A_175 = tpu.memref_slice %arg8[%run_scoped3A, %dma_wait3A_174] : memref<1x128xi32, #tpu.memory_space<vmem>> -> memref<1x128xi32, #tpu.memory_space<vmem>>
        %dma_wait3A_176 = tpu.memref_squeeze %dma_wait3A_175 : memref<1x128xi32, #tpu.memory_space<vmem>> -> memref<128xi32, #tpu.memory_space<vmem>>
        %dma_wait3A_177 = arith.constant 0 : i32
        %dma_wait3A_178 = arith.constant 0 : i32
        %dma_wait3A_179 = tpu.memref_slice %arg12[%dma_wait3A_177, %dma_wait3A_178] : memref<10240x128xf32, #tpu.memory_space<vmem_shared>> -> memref<10240x128xf32, #tpu.memory_space<vmem_shared>>
        tpu.wait_indirect_dma semaphore(%run_scoped3A_167 : memref<!tpu.dma_semaphore, #tpu.memory_space<semaphore_mem>>) src(%arg10 : memref<128x128xf32, #tpu.memory_space<vmem>>) dst(%dma_wait3A_179 : memref<10240x128xf32, #tpu.memory_space<vmem_shared>>)
        tpu.yield
      }) : () -> ()
      %sub3A_139 = arith.constant 1 : i32
      %sub3A_140 = arith.subi %add3A_46, %sub3A_139 : i32
      %lt3A_141 = arith.cmpi slt, %while3A_94, %sub3A_140 : i32
      %convert_element_type3A_142 = arith.extui %lt3A_141 : i1 to i32
      %cond3A_143 = arith.constant 0 : i32
      %cond3A_144 = arith.cmpi ne, %convert_element_type3A_142, %cond3A_143 : i32
      scf.if %cond3A_144 {
        %add3A_167 = arith.constant 2 : i32
        %add3A_168 = arith.addi %mul3A_97, %add3A_167 : i32
        %dma_start3A_169 = arith.constant 0 : i32
        %dma_start3A_170 = tpu.memref_slice %arg7[%add3A_168, %dma_start3A_169] : memref<80x128xi32, #tpu.memory_space<vmem>> -> memref<1x128xi32, #tpu.memory_space<vmem>>
        %dma_start3A_171 = tpu.memref_squeeze %dma_start3A_170 : memref<1x128xi32, #tpu.memory_space<vmem>> -> memref<128xi32, #tpu.memory_space<vmem>>
        %dma_start3A_172 = arith.constant 0 : i32
        %dma_start3A_173 = arith.constant 0 : i32
        %dma_start3A_174 = tpu.memref_slice %arg4[%dma_start3A_172, %dma_start3A_173] : memref<10240x128xf32, #tpu.memory_space<hbm>> -> memref<10240x128xf32, #tpu.memory_space<hbm>>
        tpu.enqueue_indirect_dma source(%dma_start3A_174 : memref<10240x128xf32, #tpu.memory_space<hbm>>) target(%arg10 : memref<128x128xf32, #tpu.memory_space<vmem>>) offsets(%dma_start3A_171 : memref<128xi32, #tpu.memory_space<vmem>>) semaphore(%arg13 : memref<!tpu.dma_semaphore, #tpu.memory_space<semaphore_mem>>)
        %add3A_175 = arith.constant 2 : i32
        %add3A_176 = arith.addi %mul3A_97, %add3A_175 : i32
        %add3A_177 = arith.addi %sub3A_21, %add3A_176 : i32
        %dma_start3A_178 = arith.constant 0 : i32
        %dma_start3A_179 = arith.constant 0 : i32
        %dma_start3A_180 = tpu.memref_slice %arg8[%dma_start3A_178, %dma_start3A_179] : memref<1x128xi32, #tpu.memory_space<vmem>> -> memref<1x128xi32, #tpu.memory_space<vmem>>
        %dma_start3A_181 = tpu.memref_squeeze %dma_start3A_180 : memref<1x128xi32, #tpu.memory_space<vmem>> -> memref<128xi32, #tpu.memory_space<vmem>>
        %dma_start3A_182 = arith.constant 0 : i32
        %dma_start3A_183 = tpu.memref_slice %arg3[%add3A_177, %dma_start3A_182] : memref<2500x128xi32, #tpu.memory_space<hbm>> -> memref<1x128xi32, #tpu.memory_space<hbm>>
        %dma_start3A_184 = tpu.memref_squeeze %dma_start3A_183 : memref<1x128xi32, #tpu.memory_space<hbm>> -> memref<128xi32, #tpu.memory_space<hbm>>
        %dma_start3A_185 = arith.constant 0 : i32
        %dma_start3A_186 = tpu.memref_slice %arg8[%dma_start3A_178, %dma_start3A_185] : memref<1x128xi32, #tpu.memory_space<vmem>> -> memref<1x128xi32, #tpu.memory_space<vmem>>
        %dma_start3A_187 = tpu.memref_squeeze %dma_start3A_186 : memref<1x128xi32, #tpu.memory_space<vmem>> -> memref<128xi32, #tpu.memory_space<vmem>>
        %dma_start3A_188 = arith.constant 0 : i32
        %dma_start3A_189 = tpu.memref_slice %arg3[%add3A_177, %dma_start3A_188] : memref<2500x128xi32, #tpu.memory_space<hbm>> -> memref<1x128xi32, #tpu.memory_space<hbm>>
        %dma_start3A_190 = tpu.memref_squeeze %dma_start3A_189 : memref<1x128xi32, #tpu.memory_space<hbm>> -> memref<128xi32, #tpu.memory_space<hbm>>
        tpu.enqueue_dma source(%dma_start3A_190 : memref<128xi32, #tpu.memory_space<hbm>>) target(%dma_start3A_187 : memref<128xi32, #tpu.memory_space<vmem>>) target_semaphore(%arg15 : memref<!tpu.dma_semaphore, #tpu.memory_space<semaphore_mem>>)
      } else {
      }
      %dma_wait3A_145 = arith.constant 0 : i32
      %dma_wait3A_146 = tpu.memref_slice %arg7[%add3A_99, %dma_wait3A_145] : memref<80x128xi32, #tpu.memory_space<vmem>> -> memref<1x128xi32, #tpu.memory_space<vmem>>
      %dma_wait3A_147 = tpu.memref_squeeze %dma_wait3A_146 : memref<1x128xi32, #tpu.memory_space<vmem>> -> memref<128xi32, #tpu.memory_space<vmem>>
      %dma_wait3A_148 = arith.constant 0 : i32
      %dma_wait3A_149 = arith.constant 0 : i32
      %dma_wait3A_150 = tpu.memref_slice %arg4[%dma_wait3A_148, %dma_wait3A_149] : memref<10240x128xf32, #tpu.memory_space<hbm>> -> memref<10240x128xf32, #tpu.memory_space<hbm>>
      tpu.wait_indirect_dma semaphore(%arg14 : memref<!tpu.dma_semaphore, #tpu.memory_space<semaphore_mem>>) src(%dma_wait3A_150 : memref<10240x128xf32, #tpu.memory_space<hbm>>) dst(%arg11 : memref<128x128xf32, #tpu.memory_space<vmem>>)
      %add3A_151 = arith.addi %sub3A_21, %add3A_99 : i32
      %dma_wait3A_152 = arith.constant 0 : i32
      %dma_wait3A_153 = arith.constant 0 : i32
      %dma_wait3A_154 = tpu.memref_slice %arg9[%dma_wait3A_152, %dma_wait3A_153] : memref<1x128xi32, #tpu.memory_space<vmem>> -> memref<1x128xi32, #tpu.memory_space<vmem>>
      %dma_wait3A_155 = tpu.memref_squeeze %dma_wait3A_154 : memref<1x128xi32, #tpu.memory_space<vmem>> -> memref<128xi32, #tpu.memory_space<vmem>>
      %dma_wait3A_156 = arith.constant 0 : i32
      %dma_wait3A_157 = tpu.memref_slice %arg3[%add3A_151, %dma_wait3A_156] : memref<2500x128xi32, #tpu.memory_space<hbm>> -> memref<1x128xi32, #tpu.memory_space<hbm>>
      %dma_wait3A_158 = tpu.memref_squeeze %dma_wait3A_157 : memref<1x128xi32, #tpu.memory_space<hbm>> -> memref<128xi32, #tpu.memory_space<hbm>>
      %dma_wait3A_159 = arith.constant 0 : i32
      %dma_wait3A_160 = tpu.memref_slice %arg9[%dma_wait3A_152, %dma_wait3A_159] : memref<1x128xi32, #tpu.memory_space<vmem>> -> memref<1x128xi32, #tpu.memory_space<vmem>>
      %dma_wait3A_161 = tpu.memref_squeeze %dma_wait3A_160 : memref<1x128xi32, #tpu.memory_space<vmem>> -> memref<128xi32, #tpu.memory_space<vmem>>
      %dma_wait3A_162 = arith.constant 0 : i32
      %dma_wait3A_163 = tpu.memref_slice %arg3[%add3A_151, %dma_wait3A_162] : memref<2500x128xi32, #tpu.memory_space<hbm>> -> memref<1x128xi32, #tpu.memory_space<hbm>>
      %dma_wait3A_164 = tpu.memref_squeeze %dma_wait3A_163 : memref<1x128xi32, #tpu.memory_space<hbm>> -> memref<128xi32, #tpu.memory_space<hbm>>
      tpu.wait_dma2 semaphore(%arg16 : memref<!tpu.dma_semaphore, #tpu.memory_space<semaphore_mem>>) src(%dma_wait3A_164 : memref<128xi32, #tpu.memory_space<hbm>>) dst(%dma_wait3A_161 : memref<128xi32, #tpu.memory_space<vmem>>)
      %run_scoped3A_165 = arith.constant 0 : i32
      "tpu.region"() ({
        %run_scoped3A_167 = tpu.sem_alloc : memref<!tpu.dma_semaphore, #tpu.memory_space<semaphore_mem>>
        %dma_start3A_168 = arith.constant 0 : i32
        %dma_start3A_169 = tpu.memref_slice %arg9[%run_scoped3A_165, %dma_start3A_168] : memref<1x128xi32, #tpu.memory_space<vmem>> -> memref<1x128xi32, #tpu.memory_space<vmem>>
        %dma_start3A_170 = tpu.memref_squeeze %dma_start3A_169 : memref<1x128xi32, #tpu.memory_space<vmem>> -> memref<128xi32, #tpu.memory_space<vmem>>
        %dma_start3A_171 = arith.constant 0 : i32
        %dma_start3A_172 = arith.constant 0 : i32
        %dma_start3A_173 = tpu.memref_slice %arg12[%dma_start3A_171, %dma_start3A_172] : memref<10240x128xf32, #tpu.memory_space<vmem_shared>> -> memref<10240x128xf32, #tpu.memory_space<vmem_shared>>
        tpu.enqueue_indirect_dma source(%arg11 : memref<128x128xf32, #tpu.memory_space<vmem>>) target(%dma_start3A_173 : memref<10240x128xf32, #tpu.memory_space<vmem_shared>>) offsets(%dma_start3A_170 : memref<128xi32, #tpu.memory_space<vmem>>) semaphore(%run_scoped3A_167 : memref<!tpu.dma_semaphore, #tpu.memory_space<semaphore_mem>>) {add = true}
        %dma_wait3A_174 = arith.constant 0 : i32
        %dma_wait3A_175 = tpu.memref_slice %arg9[%run_scoped3A_165, %dma_wait3A_174] : memref<1x128xi32, #tpu.memory_space<vmem>> -> memref<1x128xi32, #tpu.memory_space<vmem>>
        %dma_wait3A_176 = tpu.memref_squeeze %dma_wait3A_175 : memref<1x128xi32, #tpu.memory_space<vmem>> -> memref<128xi32, #tpu.memory_space<vmem>>
        %dma_wait3A_177 = arith.constant 0 : i32
        %dma_wait3A_178 = arith.constant 0 : i32
        %dma_wait3A_179 = tpu.memref_slice %arg12[%dma_wait3A_177, %dma_wait3A_178] : memref<10240x128xf32, #tpu.memory_space<vmem_shared>> -> memref<10240x128xf32, #tpu.memory_space<vmem_shared>>
        tpu.wait_indirect_dma semaphore(%run_scoped3A_167 : memref<!tpu.dma_semaphore, #tpu.memory_space<semaphore_mem>>) src(%arg11 : memref<128x128xf32, #tpu.memory_space<vmem>>) dst(%dma_wait3A_179 : memref<10240x128xf32, #tpu.memory_space<vmem_shared>>)
        tpu.yield
      }) : () -> ()
      %while3A_166 = arith.constant 0 : i32
      scf.yield %while3A_166 : i32
    }
    %while3A_87 = arith.constant 1 : i32
    %while3A_88 = scf.for %while3A_94 = %while3A_84 to %while3A_80 step %while3A_87 iter_args(%while3A_95 = %while3A_86) -> (i32)  : i32 {
      %mul3A_96 = arith.constant 2 : i32
      %mul3A_97 = arith.muli %mul3A_96, %while3A_94 : i32
      %add3A_98 = arith.constant 1 : i32
      %add3A_99 = arith.addi %mul3A_97, %add3A_98 : i32
      %dma_start3A_100 = arith.constant 0 : i32
      %dma_start3A_101 = tpu.memref_slice %arg7[%add3A_99, %dma_start3A_100] : memref<80x128xi32, #tpu.memory_space<vmem>> -> memref<1x128xi32, #tpu.memory_space<vmem>>
      %dma_start3A_102 = tpu.memref_squeeze %dma_start3A_101 : memref<1x128xi32, #tpu.memory_space<vmem>> -> memref<128xi32, #tpu.memory_space<vmem>>
      %dma_start3A_103 = arith.constant 0 : i32
      %dma_start3A_104 = arith.constant 0 : i32
      %dma_start3A_105 = tpu.memref_slice %arg4[%dma_start3A_103, %dma_start3A_104] : memref<10240x128xf32, #tpu.memory_space<hbm>> -> memref<10240x128xf32, #tpu.memory_space<hbm>>
      tpu.enqueue_indirect_dma source(%dma_start3A_105 : memref<10240x128xf32, #tpu.memory_space<hbm>>) target(%arg11 : memref<128x128xf32, #tpu.memory_space<vmem>>) offsets(%dma_start3A_102 : memref<128xi32, #tpu.memory_space<vmem>>) semaphore(%arg14 : memref<!tpu.dma_semaphore, #tpu.memory_space<semaphore_mem>>)
      %add3A_106 = arith.addi %sub3A_21, %add3A_99 : i32
      %dma_start3A_107 = arith.constant 0 : i32
      %dma_start3A_108 = arith.constant 0 : i32
      %dma_start3A_109 = tpu.memref_slice %arg9[%dma_start3A_107, %dma_start3A_108] : memref<1x128xi32, #tpu.memory_space<vmem>> -> memref<1x128xi32, #tpu.memory_space<vmem>>
      %dma_start3A_110 = tpu.memref_squeeze %dma_start3A_109 : memref<1x128xi32, #tpu.memory_space<vmem>> -> memref<128xi32, #tpu.memory_space<vmem>>
      %dma_start3A_111 = arith.constant 0 : i32
      %dma_start3A_112 = tpu.memref_slice %arg3[%add3A_106, %dma_start3A_111] : memref<2500x128xi32, #tpu.memory_space<hbm>> -> memref<1x128xi32, #tpu.memory_space<hbm>>
      %dma_start3A_113 = tpu.memref_squeeze %dma_start3A_112 : memref<1x128xi32, #tpu.memory_space<hbm>> -> memref<128xi32, #tpu.memory_space<hbm>>
      %dma_start3A_114 = arith.constant 0 : i32
      %dma_start3A_115 = tpu.memref_slice %arg9[%dma_start3A_107, %dma_start3A_114] : memref<1x128xi32, #tpu.memory_space<vmem>> -> memref<1x128xi32, #tpu.memory_space<vmem>>
      %dma_start3A_116 = tpu.memref_squeeze %dma_start3A_115 : memref<1x128xi32, #tpu.memory_space<vmem>> -> memref<128xi32, #tpu.memory_space<vmem>>
      %dma_start3A_117 = arith.constant 0 : i32
      %dma_start3A_118 = tpu.memref_slice %arg3[%add3A_106, %dma_start3A_117] : memref<2500x128xi32, #tpu.memory_space<hbm>> -> memref<1x128xi32, #tpu.memory_space<hbm>>
      %dma_start3A_119 = tpu.memref_squeeze %dma_start3A_118 : memref<1x128xi32, #tpu.memory_space<hbm>> -> memref<128xi32, #tpu.memory_space<hbm>>
      tpu.enqueue_dma source(%dma_start3A_119 : memref<128xi32, #tpu.memory_space<hbm>>) target(%dma_start3A_116 : memref<128xi32, #tpu.memory_space<vmem>>) target_semaphore(%arg16 : memref<!tpu.dma_semaphore, #tpu.memory_space<semaphore_mem>>)
      %dma_wait3A = arith.constant 0 : i32
      %dma_wait3A_120 = tpu.memref_slice %arg7[%mul3A_97, %dma_wait3A] : memref<80x128xi32, #tpu.memory_space<vmem>> -> memref<1x128xi32, #tpu.memory_space<vmem>>
      %dma_wait3A_121 = tpu.memref_squeeze %dma_wait3A_120 : memref<1x128xi32, #tpu.memory_space<vmem>> -> memref<128xi32, #tpu.memory_space<vmem>>
      %dma_wait3A_122 = arith.constant 0 : i32
      %dma_wait3A_123 = arith.constant 0 : i32
      %dma_wait3A_124 = tpu.memref_slice %arg4[%dma_wait3A_122, %dma_wait3A_123] : memref<10240x128xf32, #tpu.memory_space<hbm>> -> memref<10240x128xf32, #tpu.memory_space<hbm>>
      tpu.wait_indirect_dma semaphore(%arg13 : memref<!tpu.dma_semaphore, #tpu.memory_space<semaphore_mem>>) src(%dma_wait3A_124 : memref<10240x128xf32, #tpu.memory_space<hbm>>) dst(%arg10 : memref<128x128xf32, #tpu.memory_space<vmem>>)
      %add3A_125 = arith.addi %sub3A_21, %mul3A_97 : i32
      %dma_wait3A_126 = arith.constant 0 : i32
      %dma_wait3A_127 = arith.constant 0 : i32
      %dma_wait3A_128 = tpu.memref_slice %arg8[%dma_wait3A_126, %dma_wait3A_127] : memref<1x128xi32, #tpu.memory_space<vmem>> -> memref<1x128xi32, #tpu.memory_space<vmem>>
      %dma_wait3A_129 = tpu.memref_squeeze %dma_wait3A_128 : memref<1x128xi32, #tpu.memory_space<vmem>> -> memref<128xi32, #tpu.memory_space<vmem>>
      %dma_wait3A_130 = arith.constant 0 : i32
      %dma_wait3A_131 = tpu.memref_slice %arg3[%add3A_125, %dma_wait3A_130] : memref<2500x128xi32, #tpu.memory_space<hbm>> -> memref<1x128xi32, #tpu.memory_space<hbm>>
      %dma_wait3A_132 = tpu.memref_squeeze %dma_wait3A_131 : memref<1x128xi32, #tpu.memory_space<hbm>> -> memref<128xi32, #tpu.memory_space<hbm>>
      %dma_wait3A_133 = arith.constant 0 : i32
      %dma_wait3A_134 = tpu.memref_slice %arg8[%dma_wait3A_126, %dma_wait3A_133] : memref<1x128xi32, #tpu.memory_space<vmem>> -> memref<1x128xi32, #tpu.memory_space<vmem>>
      %dma_wait3A_135 = tpu.memref_squeeze %dma_wait3A_134 : memref<1x128xi32, #tpu.memory_space<vmem>> -> memref<128xi32, #tpu.memory_space<vmem>>
      %dma_wait3A_136 = arith.constant 0 : i32
      %dma_wait3A_137 = tpu.memref_slice %arg3[%add3A_125, %dma_wait3A_136] : memref<2500x128xi32, #tpu.memory_space<hbm>> -> memref<1x128xi32, #tpu.memory_space<hbm>>
      %dma_wait3A_138 = tpu.memref_squeeze %dma_wait3A_137 : memref<1x128xi32, #tpu.memory_space<hbm>> -> memref<128xi32, #tpu.memory_space<hbm>>
      tpu.wait_dma2 semaphore(%arg15 : memref<!tpu.dma_semaphore, #tpu.memory_space<semaphore_mem>>) src(%dma_wait3A_138 : memref<128xi32, #tpu.memory_space<hbm>>) dst(%dma_wait3A_135 : memref<128xi32, #tpu.memory_space<vmem>>)
      %run_scoped3A = arith.constant 0 : i32
      "tpu.region"() ({
        %run_scoped3A_167 = tpu.sem_alloc : memref<!tpu.dma_semaphore, #tpu.memory_space<semaphore_mem>>
        %dma_start3A_168 = arith.constant 0 : i32
        %dma_start3A_169 = tpu.memref_slice %arg8[%run_scoped3A, %dma_start3A_168] : memref<1x128xi32, #tpu.memory_space<vmem>> -> memref<1x128xi32, #tpu.memory_space<vmem>>
        %dma_start3A_170 = tpu.memref_squeeze %dma_start3A_169 : memref<1x128xi32, #tpu.memory_space<vmem>> -> memref<128xi32, #tpu.memory_space<vmem>>
        %dma_start3A_171 = arith.constant 0 : i32
        %dma_start3A_172 = arith.constant 0 : i32
        %dma_start3A_173 = tpu.memref_slice %arg12[%dma_start3A_171, %dma_start3A_172] : memref<10240x128xf32, #tpu.memory_space<vmem_shared>> -> memref<10240x128xf32, #tpu.memory_space<vmem_shared>>
        tpu.enqueue_indirect_dma source(%arg10 : memref<128x128xf32, #tpu.memory_space<vmem>>) target(%dma_start3A_173 : memref<10240x128xf32, #tpu.memory_space<vmem_shared>>) offsets(%dma_start3A_170 : memref<128xi32, #tpu.memory_space<vmem>>) semaphore(%run_scoped3A_167 : memref<!tpu.dma_semaphore, #tpu.memory_space<semaphore_mem>>) {add = true}
        %dma_wait3A_174 = arith.constant 0 : i32
        %dma_wait3A_175 = tpu.memref_slice %arg8[%run_scoped3A, %dma_wait3A_174] : memref<1x128xi32, #tpu.memory_space<vmem>> -> memref<1x128xi32, #tpu.memory_space<vmem>>
        %dma_wait3A_176 = tpu.memref_squeeze %dma_wait3A_175 : memref<1x128xi32, #tpu.memory_space<vmem>> -> memref<128xi32, #tpu.memory_space<vmem>>
        %dma_wait3A_177 = arith.constant 0 : i32
        %dma_wait3A_178 = arith.constant 0 : i32
        %dma_wait3A_179 = tpu.memref_slice %arg12[%dma_wait3A_177, %dma_wait3A_178] : memref<10240x128xf32, #tpu.memory_space<vmem_shared>> -> memref<10240x128xf32, #tpu.memory_space<vmem_shared>>
        tpu.wait_indirect_dma semaphore(%run_scoped3A_167 : memref<!tpu.dma_semaphore, #tpu.memory_space<semaphore_mem>>) src(%arg10 : memref<128x128xf32, #tpu.memory_space<vmem>>) dst(%dma_wait3A_179 : memref<10240x128xf32, #tpu.memory_space<vmem_shared>>)
        tpu.yield
      }) : () -> ()
      %sub3A_139 = arith.constant 1 : i32
      %sub3A_140 = arith.subi %add3A_46, %sub3A_139 : i32
      %lt3A_141 = arith.cmpi slt, %while3A_94, %sub3A_140 : i32
      %convert_element_type3A_142 = arith.extui %lt3A_141 : i1 to i32
      %cond3A_143 = arith.constant 0 : i32
      %cond3A_144 = arith.cmpi ne, %convert_element_type3A_142, %cond3A_143 : i32
      scf.if %cond3A_144 {
        %add3A_167 = arith.constant 2 : i32
        %add3A_168 = arith.addi %mul3A_97, %add3A_167 : i32
        %dma_start3A_169 = arith.constant 0 : i32
        %dma_start3A_170 = tpu.memref_slice %arg7[%add3A_168, %dma_start3A_169] : memref<80x128xi32, #tpu.memory_space<vmem>> -> memref<1x128xi32, #tpu.memory_space<vmem>>
        %dma_start3A_171 = tpu.memref_squeeze %dma_start3A_170 : memref<1x128xi32, #tpu.memory_space<vmem>> -> memref<128xi32, #tpu.memory_space<vmem>>
        %dma_start3A_172 = arith.constant 0 : i32
        %dma_start3A_173 = arith.constant 0 : i32
        %dma_start3A_174 = tpu.memref_slice %arg4[%dma_start3A_172, %dma_start3A_173] : memref<10240x128xf32, #tpu.memory_space<hbm>> -> memref<10240x128xf32, #tpu.memory_space<hbm>>
        tpu.enqueue_indirect_dma source(%dma_start3A_174 : memref<10240x128xf32, #tpu.memory_space<hbm>>) target(%arg10 : memref<128x128xf32, #tpu.memory_space<vmem>>) offsets(%dma_start3A_171 : memref<128xi32, #tpu.memory_space<vmem>>) semaphore(%arg13 : memref<!tpu.dma_semaphore, #tpu.memory_space<semaphore_mem>>)
        %add3A_175 = arith.constant 2 : i32
        %add3A_176 = arith.addi %mul3A_97, %add3A_175 : i32
        %add3A_177 = arith.addi %sub3A_21, %add3A_176 : i32
        %dma_start3A_178 = arith.constant 0 : i32
        %dma_start3A_179 = arith.constant 0 : i32
        %dma_start3A_180 = tpu.memref_slice %arg8[%dma_start3A_178, %dma_start3A_179] : memref<1x128xi32, #tpu.memory_space<vmem>> -> memref<1x128xi32, #tpu.memory_space<vmem>>
        %dma_start3A_181 = tpu.memref_squeeze %dma_start3A_180 : memref<1x128xi32, #tpu.memory_space<vmem>> -> memref<128xi32, #tpu.memory_space<vmem>>
        %dma_start3A_182 = arith.constant 0 : i32
        %dma_start3A_183 = tpu.memref_slice %arg3[%add3A_177, %dma_start3A_182] : memref<2500x128xi32, #tpu.memory_space<hbm>> -> memref<1x128xi32, #tpu.memory_space<hbm>>
        %dma_start3A_184 = tpu.memref_squeeze %dma_start3A_183 : memref<1x128xi32, #tpu.memory_space<hbm>> -> memref<128xi32, #tpu.memory_space<hbm>>
        %dma_start3A_185 = arith.constant 0 : i32
        %dma_start3A_186 = tpu.memref_slice %arg8[%dma_start3A_178, %dma_start3A_185] : memref<1x128xi32, #tpu.memory_space<vmem>> -> memref<1x128xi32, #tpu.memory_space<vmem>>
        %dma_start3A_187 = tpu.memref_squeeze %dma_start3A_186 : memref<1x128xi32, #tpu.memory_space<vmem>> -> memref<128xi32, #tpu.memory_space<vmem>>
        %dma_start3A_188 = arith.constant 0 : i32
        %dma_start3A_189 = tpu.memref_slice %arg3[%add3A_177, %dma_start3A_188] : memref<2500x128xi32, #tpu.memory_space<hbm>> -> memref<1x128xi32, #tpu.memory_space<hbm>>
        %dma_start3A_190 = tpu.memref_squeeze %dma_start3A_189 : memref<1x128xi32, #tpu.memory_space<hbm>> -> memref<128xi32, #tpu.memory_space<hbm>>
        tpu.enqueue_dma source(%dma_start3A_190 : memref<128xi32, #tpu.memory_space<hbm>>) target(%dma_start3A_187 : memref<128xi32, #tpu.memory_space<vmem>>) target_semaphore(%arg15 : memref<!tpu.dma_semaphore, #tpu.memory_space<semaphore_mem>>)
      } else {
      }
      %dma_wait3A_145 = arith.constant 0 : i32
      %dma_wait3A_146 = tpu.memref_slice %arg7[%add3A_99, %dma_wait3A_145] : memref<80x128xi32, #tpu.memory_space<vmem>> -> memref<1x128xi32, #tpu.memory_space<vmem>>
      %dma_wait3A_147 = tpu.memref_squeeze %dma_wait3A_146 : memref<1x128xi32, #tpu.memory_space<vmem>> -> memref<128xi32, #tpu.memory_space<vmem>>
      %dma_wait3A_148 = arith.constant 0 : i32
      %dma_wait3A_149 = arith.constant 0 : i32
      %dma_wait3A_150 = tpu.memref_slice %arg4[%dma_wait3A_148, %dma_wait3A_149] : memref<10240x128xf32, #tpu.memory_space<hbm>> -> memref<10240x128xf32, #tpu.memory_space<hbm>>
      tpu.wait_indirect_dma semaphore(%arg14 : memref<!tpu.dma_semaphore, #tpu.memory_space<semaphore_mem>>) src(%dma_wait3A_150 : memref<10240x128xf32, #tpu.memory_space<hbm>>) dst(%arg11 : memref<128x128xf32, #tpu.memory_space<vmem>>)
      %add3A_151 = arith.addi %sub3A_21, %add3A_99 : i32
      %dma_wait3A_152 = arith.constant 0 : i32
      %dma_wait3A_153 = arith.constant 0 : i32
      %dma_wait3A_154 = tpu.memref_slice %arg9[%dma_wait3A_152, %dma_wait3A_153] : memref<1x128xi32, #tpu.memory_space<vmem>> -> memref<1x128xi32, #tpu.memory_space<vmem>>
      %dma_wait3A_155 = tpu.memref_squeeze %dma_wait3A_154 : memref<1x128xi32, #tpu.memory_space<vmem>> -> memref<128xi32, #tpu.memory_space<vmem>>
      %dma_wait3A_156 = arith.constant 0 : i32
      %dma_wait3A_157 = tpu.memref_slice %arg3[%add3A_151, %dma_wait3A_156] : memref<2500x128xi32, #tpu.memory_space<hbm>> -> memref<1x128xi32, #tpu.memory_space<hbm>>
      %dma_wait3A_158 = tpu.memref_squeeze %dma_wait3A_157 : memref<1x128xi32, #tpu.memory_space<hbm>> -> memref<128xi32, #tpu.memory_space<hbm>>
      %dma_wait3A_159 = arith.constant 0 : i32
      %dma_wait3A_160 = tpu.memref_slice %arg9[%dma_wait3A_152, %dma_wait3A_159] : memref<1x128xi32, #tpu.memory_space<vmem>> -> memref<1x128xi32, #tpu.memory_space<vmem>>
      %dma_wait3A_161 = tpu.memref_squeeze %dma_wait3A_160 : memref<1x128xi32, #tpu.memory_space<vmem>> -> memref<128xi32, #tpu.memory_space<vmem>>
      %dma_wait3A_162 = arith.constant 0 : i32
      %dma_wait3A_163 = tpu.memref_slice %arg3[%add3A_151, %dma_wait3A_162] : memref<2500x128xi32, #tpu.memory_space<hbm>> -> memref<1x128xi32, #tpu.memory_space<hbm>>
      %dma_wait3A_164 = tpu.memref_squeeze %dma_wait3A_163 : memref<1x128xi32, #tpu.memory_space<hbm>> -> memref<128xi32, #tpu.memory_space<hbm>>
      tpu.wait_dma2 semaphore(%arg16 : memref<!tpu.dma_semaphore, #tpu.memory_space<semaphore_mem>>) src(%dma_wait3A_164 : memref<128xi32, #tpu.memory_space<hbm>>) dst(%dma_wait3A_161 : memref<128xi32, #tpu.memory_space<vmem>>)
      %run_scoped3A_165 = arith.constant 0 : i32
      "tpu.region"() ({
        %run_scoped3A_167 = tpu.sem_alloc : memref<!tpu.dma_semaphore, #tpu.memory_space<semaphore_mem>>
        %dma_start3A_168 = arith.constant 0 : i32
        %dma_start3A_169 = tpu.memref_slice %arg9[%run_scoped3A_165, %dma_start3A_168] : memref<1x128xi32, #tpu.memory_space<vmem>> -> memref<1x128xi32, #tpu.memory_space<vmem>>
        %dma_start3A_170 = tpu.memref_squeeze %dma_start3A_169 : memref<1x128xi32, #tpu.memory_space<vmem>> -> memref<128xi32, #tpu.memory_space<vmem>>
        %dma_start3A_171 = arith.constant 0 : i32
        %dma_start3A_172 = arith.constant 0 : i32
        %dma_start3A_173 = tpu.memref_slice %arg12[%dma_start3A_171, %dma_start3A_172] : memref<10240x128xf32, #tpu.memory_space<vmem_shared>> -> memref<10240x128xf32, #tpu.memory_space<vmem_shared>>
        tpu.enqueue_indirect_dma source(%arg11 : memref<128x128xf32, #tpu.memory_space<vmem>>) target(%dma_start3A_173 : memref<10240x128xf32, #tpu.memory_space<vmem_shared>>) offsets(%dma_start3A_170 : memref<128xi32, #tpu.memory_space<vmem>>) semaphore(%run_scoped3A_167 : memref<!tpu.dma_semaphore, #tpu.memory_space<semaphore_mem>>) {add = true}
        %dma_wait3A_174 = arith.constant 0 : i32
        %dma_wait3A_175 = tpu.memref_slice %arg9[%run_scoped3A_165, %dma_wait3A_174] : memref<1x128xi32, #tpu.memory_space<vmem>> -> memref<1x128xi32, #tpu.memory_space<vmem>>
        %dma_wait3A_176 = tpu.memref_squeeze %dma_wait3A_175 : memref<1x128xi32, #tpu.memory_space<vmem>> -> memref<128xi32, #tpu.memory_space<vmem>>
        %dma_wait3A_177 = arith.constant 0 : i32
        %dma_wait3A_178 = arith.constant 0 : i32
        %dma_wait3A_179 = tpu.memref_slice %arg12[%dma_wait3A_177, %dma_wait3A_178] : memref<10240x128xf32, #tpu.memory_space<vmem_shared>> -> memref<10240x128xf32, #tpu.memory_space<vmem_shared>>
        tpu.wait_indirect_dma semaphore(%run_scoped3A_167 : memref<!tpu.dma_semaphore, #tpu.memory_space<semaphore_mem>>) src(%arg11 : memref<128x128xf32, #tpu.memory_space<vmem>>) dst(%dma_wait3A_179 : memref<10240x128xf32, #tpu.memory_space<vmem_shared>>)
        tpu.yield
      }) : () -> ()
      %while3A_166 = arith.constant 0 : i32
      scf.yield %while3A_166 : i32
    }
    %barrier3A_89 = arith.constant 0 : index
    tpu.barrier barrier_id(%barrier3A_89)
    %mul3A_90 = arith.constant 640 : i32
    %mul3A_91 = arith.muli %arg1, %mul3A_90 : i32
    %mul3A_92 = arith.constant 640 : i32
    %mul3A_93 = arith.muli %arg1, %mul3A_92 : i32
    "tpu.region"() ({
      %run_scoped3A = tpu.sem_alloc : memref<!tpu.dma_semaphore, #tpu.memory_space<semaphore_mem>>
      %dma_start3A_94 = arith.constant 0 : i32
      %dma_start3A_95 = tpu.memref_slice %arg6[%arg0, %mul3A_93, %dma_start3A_94] : memref<2x10240x128xf32, #tpu.memory_space<hbm>> -> memref<1x640x128xf32, #tpu.memory_space<hbm>>
      %dma_start3A_96 = tpu.memref_squeeze %dma_start3A_95 : memref<1x640x128xf32, #tpu.memory_space<hbm>> -> memref<640x128xf32, #tpu.memory_space<hbm>>
      %dma_start3A_97 = arith.constant 0 : i32
      %dma_start3A_98 = tpu.memref_slice %arg12[%mul3A_91, %dma_start3A_97] : memref<10240x128xf32, #tpu.memory_space<vmem_shared>> -> memref<640x128xf32, #tpu.memory_space<vmem_shared>>
      tpu.enqueue_dma source(%dma_start3A_98 : memref<640x128xf32, #tpu.memory_space<vmem_shared>>) target(%dma_start3A_96 : memref<640x128xf32, #tpu.memory_space<hbm>>) target_semaphore(%run_scoped3A : memref<!tpu.dma_semaphore, #tpu.memory_space<semaphore_mem>>)
      %dma_wait3A = arith.constant 0 : i32
      %dma_wait3A_99 = tpu.memref_slice %arg6[%arg0, %mul3A_93, %dma_wait3A] : memref<2x10240x128xf32, #tpu.memory_space<hbm>> -> memref<1x640x128xf32, #tpu.memory_space<hbm>>
      %dma_wait3A_100 = tpu.memref_squeeze %dma_wait3A_99 : memref<1x640x128xf32, #tpu.memory_space<hbm>> -> memref<640x128xf32, #tpu.memory_space<hbm>>
      %dma_wait3A_101 = arith.constant 0 : i32
      %dma_wait3A_102 = tpu.memref_slice %arg12[%mul3A_91, %dma_wait3A_101] : memref<10240x128xf32, #tpu.memory_space<vmem_shared>> -> memref<640x128xf32, #tpu.memory_space<vmem_shared>>
      tpu.wait_dma2 semaphore(%run_scoped3A : memref<!tpu.dma_semaphore, #tpu.memory_space<semaphore_mem>>) src(%dma_wait3A_102 : memref<640x128xf32, #tpu.memory_space<vmem_shared>>) dst(%dma_wait3A_100 : memref<640x128xf32, #tpu.memory_space<hbm>>)
      tpu.yield
    }) : () -> ()
    return
  }
}

module attributes {stable_mosaic.version = 14 : i64} {
  func.func @_h2_body(%arg0: i32, %arg1: memref<8x128x128xf32, #tpu.memory_space<vmem>>, %arg2: memref<128x128xf32, #tpu.memory_space<vmem>>, %arg3: memref<1x128xf32, #tpu.memory_space<vmem>>, %arg4: memref<8x128x32xf32, #tpu.memory_space<vmem>>, %arg5: memref<8x128x128xf32, #tpu.memory_space<vmem>>) attributes {dimension_semantics = [#tpu.dimension_semantics<arbitrary>], iteration_bounds = array<i64: 10>, scalar_prefetch = 0 : i64, scratch_operands = 0 : i64, tpu.core_type = #tpu.core_type<tc>, window_params = [{transform_indices = @transform_0, window_bounds = array<i64: 8, 128, 128>}, {pipeline_mode = #tpu.pipeline_mode<synchronous>, transform_indices = @transform_1, window_bounds = array<i64: 128, 128>}, {pipeline_mode = #tpu.pipeline_mode<synchronous>, transform_indices = @transform_2, window_bounds = array<i64: 1, 128>}, {transform_indices = @transform_3, window_bounds = array<i64: 8, 128, 32>}, {transform_indices = @transform_4, window_bounds = array<i64: 8, 128, 128>}]} {
    %get3A = arith.constant 0 : index
    %get3A_0 = arith.constant 0 : index
    %get3A_1 = arith.constant 0 : index
    %get3A_2 = vector.load %arg4[%get3A, %get3A_0, %get3A_1] : memref<8x128x32xf32, #tpu.memory_space<vmem>>, vector<8x128x32xf32>
    %reduce_sum3A = arith.constant dense<0.000000e+00> : vector<8x128xf32>
    %reduce_sum3A_3 = vector.multi_reduction <add>, %get3A_2, %reduce_sum3A [2] : vector<8x128x32xf32> to vector<8x128xf32>
    %broadcast_in_dim3A = vector.shape_cast %reduce_sum3A_3 : vector<8x128xf32> to vector<8x128x1xf32>
    %add3A = arith.constant 1.000000e+00 : f32
    %add3A_4 = vector.broadcast %add3A : f32 to vector<8x128x1xf32>
    %add3A_5 = arith.addf %broadcast_in_dim3A, %add3A_4 : vector<8x128x1xf32>
    %rsqrt3A = math.rsqrt %add3A_5 : vector<8x128x1xf32>
    %get3A_6 = arith.constant 0 : index
    %get3A_7 = arith.constant 0 : index
    %get3A_8 = arith.constant 0 : index
    %get3A_9 = vector.load %arg1[%get3A_6, %get3A_7, %get3A_8] : memref<8x128x128xf32, #tpu.memory_space<vmem>>, vector<8x128x128xf32>
    %reshape3A = vector.shape_cast %get3A_9 : vector<8x128x128xf32> to vector<1024x128xf32>
    %get3A_10 = arith.constant 0 : index
    %get3A_11 = arith.constant 0 : index
    %get3A_12 = vector.load %arg2[%get3A_10, %get3A_11] : memref<128x128xf32, #tpu.memory_space<vmem>>, vector<128x128xf32>
    %dot_general3A = arith.constant dense<0.000000e+00> : vector<1024x128xf32>
    %dot_general3A_13 = tpu.matmul %reshape3A, %get3A_12, %dot_general3A {dimension_numbers = #tpu.dot_dimension_numbers<[1], [0], [0], [1], [0, 0, 1, 1], [], []>, transpose_lhs_hint = false} : vector<1024x128xf32>, vector<128x128xf32>, vector<1024x128xf32> -> vector<1024x128xf32>
    %get3A_14 = arith.constant 0 : index
    %get3A_15 = arith.constant 0 : index
    %get3A_16 = vector.load %arg3[%get3A_14, %get3A_15] : memref<1x128xf32, #tpu.memory_space<vmem>>, vector<1x128xf32>
    %add3A_17 = vector.broadcast %get3A_16 : vector<1x128xf32> to vector<1024x128xf32>
    %add3A_18 = arith.addf %dot_general3A_13, %add3A_17 : vector<1024x128xf32>
    %reshape3A_19 = vector.shape_cast %add3A_18 : vector<1024x128xf32> to vector<8x128x128xf32>
    %mul3A = vector.broadcast %rsqrt3A : vector<8x128x1xf32> to vector<8x128x128xf32>
    %mul3A_20 = arith.mulf %reshape3A_19, %mul3A : vector<8x128x128xf32>
    %swap3A = arith.constant 0 : index
    %swap3A_21 = arith.constant 0 : index
    %swap3A_22 = arith.constant 0 : index
    %swap3A_23 = vector.load %arg5[%swap3A, %swap3A_21, %swap3A_22] : memref<8x128x128xf32, #tpu.memory_space<vmem>>, vector<8x128x128xf32>
    tpu.vector_store %arg5[%swap3A, %swap3A_21, %swap3A_22], %mul3A_20 {strides = array<i32>} : memref<8x128x128xf32, #tpu.memory_space<vmem>>, vector<8x128x128xf32>,
    return
  }
  func.func @transform_0(%arg0: i32) -> (i32, i32, i32) {
    %c0_i32 = arith.constant 0 : i32
    %c0_i32_0 = arith.constant 0 : i32
    %c0_i32_1 = arith.constant 0 : i32
    return %arg0, %c0_i32, %c0_i32_0 : i32, i32, i32
  }
  func.func @transform_1(%arg0: i32) -> (i32, i32) {
    %c0_i32 = arith.constant 0 : i32
    %c0_i32_0 = arith.constant 0 : i32
    %c0_i32_1 = arith.constant 0 : i32
    return %c0_i32, %c0_i32_0 : i32, i32
  }
  func.func @transform_2(%arg0: i32) -> (i32, i32) {
    %c0_i32 = arith.constant 0 : i32
    %c0_i32_0 = arith.constant 0 : i32
    %c0_i32_1 = arith.constant 0 : i32
    return %c0_i32, %c0_i32_0 : i32, i32
  }
  func.func @transform_3(%arg0: i32) -> (i32, i32, i32) {
    %c0_i32 = arith.constant 0 : i32
    %c0_i32_0 = arith.constant 0 : i32
    %c0_i32_1 = arith.constant 0 : i32
    return %arg0, %c0_i32, %c0_i32_0 : i32, i32, i32
  }
  func.func @transform_4(%arg0: i32) -> (i32, i32, i32) {
    %c0_i32 = arith.constant 0 : i32
    %c0_i32_0 = arith.constant 0 : i32
    %c0_i32_1 = arith.constant 0 : i32
    return %arg0, %c0_i32, %c0_i32_0 : i32, i32, i32
  }
}

module attributes {stable_mosaic.version = 14 : i64} {
  func.func @_final_body(%arg0: i32, %arg1: memref<1x8x128x128xf32, #tpu.memory_space<vmem>>, %arg2: memref<1x8x128x128xf32, #tpu.memory_space<vmem>>, %arg3: memref<8x128x128xf32, #tpu.memory_space<vmem>>, %arg4: memref<8x128x32xf32, #tpu.memory_space<vmem>>, %arg5: memref<128x128xf32, #tpu.memory_space<vmem>>, %arg6: memref<1x128xf32, #tpu.memory_space<vmem>>, %arg7: memref<1024x128xf32, #tpu.memory_space<vmem>>) attributes {dimension_semantics = [#tpu.dimension_semantics<arbitrary>], iteration_bounds = array<i64: 10>, scalar_prefetch = 0 : i64, scratch_operands = 0 : i64, tpu.core_type = #tpu.core_type<tc>, window_params = [{transform_indices = @transform_0, window_bounds = array<i64: 1, 8, 128, 128>}, {transform_indices = @transform_1, window_bounds = array<i64: 1, 8, 128, 128>}, {transform_indices = @transform_2, window_bounds = array<i64: 8, 128, 128>}, {transform_indices = @transform_3, window_bounds = array<i64: 8, 128, 32>}, {pipeline_mode = #tpu.pipeline_mode<synchronous>, transform_indices = @transform_4, window_bounds = array<i64: 128, 128>}, {pipeline_mode = #tpu.pipeline_mode<synchronous>, transform_indices = @transform_5, window_bounds = array<i64: 1, 128>}, {transform_indices = @transform_6, window_bounds = array<i64: 1024, 128>}]} {
    %get3A = arith.constant 0 : index
    %get3A_0 = arith.constant 0 : index
    %get3A_1 = arith.constant 0 : index
    %get3A_2 = vector.load %arg4[%get3A, %get3A_0, %get3A_1] : memref<8x128x32xf32, #tpu.memory_space<vmem>>, vector<8x128x32xf32>
    %reduce_sum3A = arith.constant dense<0.000000e+00> : vector<8x128xf32>
    %reduce_sum3A_3 = vector.multi_reduction <add>, %get3A_2, %reduce_sum3A [2] : vector<8x128x32xf32> to vector<8x128xf32>
    %broadcast_in_dim3A = vector.shape_cast %reduce_sum3A_3 : vector<8x128xf32> to vector<8x128x1xf32>
    %add3A = arith.constant 1.000000e+00 : f32
    %add3A_4 = vector.broadcast %add3A : f32 to vector<8x128x1xf32>
    %add3A_5 = arith.addf %broadcast_in_dim3A, %add3A_4 : vector<8x128x1xf32>
    %rsqrt3A = math.rsqrt %add3A_5 : vector<8x128x1xf32>
    %get3A_6 = arith.constant 0 : index
    %get3A_7 = arith.constant 0 : index
    %get3A_8 = arith.constant 0 : index
    %get3A_9 = arith.constant 0 : index
    %get3A_10 = vector.load %arg1[%get3A_6, %get3A_7, %get3A_8, %get3A_9] : memref<1x8x128x128xf32, #tpu.memory_space<vmem>>, vector<1x8x128x128xf32>
    %get3A_11 = vector.shape_cast %get3A_10 : vector<1x8x128x128xf32> to vector<8x128x128xf32>
    %get3A_12 = arith.constant 0 : index
    %get3A_13 = arith.constant 0 : index
    %get3A_14 = arith.constant 0 : index
    %get3A_15 = arith.constant 0 : index
    %get3A_16 = vector.load %arg2[%get3A_12, %get3A_13, %get3A_14, %get3A_15] : memref<1x8x128x128xf32, #tpu.memory_space<vmem>>, vector<1x8x128x128xf32>
    %get3A_17 = vector.shape_cast %get3A_16 : vector<1x8x128x128xf32> to vector<8x128x128xf32>
    %add3A_18 = arith.addf %get3A_11, %get3A_17 : vector<8x128x128xf32>
    %get3A_19 = arith.constant 0 : index
    %get3A_20 = arith.constant 0 : index
    %get3A_21 = arith.constant 0 : index
    %get3A_22 = vector.load %arg3[%get3A_19, %get3A_20, %get3A_21] : memref<8x128x128xf32, #tpu.memory_space<vmem>>, vector<8x128x128xf32>
    %mul3A = arith.constant 1.000000e+00 : f32
    %mul3A_23 = vector.broadcast %mul3A : f32 to vector<8x128x128xf32>
    %mul3A_24 = arith.mulf %mul3A_23, %get3A_22 : vector<8x128x128xf32>
    %add3A_25 = arith.addf %add3A_18, %mul3A_24 : vector<8x128x128xf32>
    %mul3A_26 = vector.broadcast %rsqrt3A : vector<8x128x1xf32> to vector<8x128x128xf32>
    %mul3A_27 = arith.mulf %add3A_25, %mul3A_26 : vector<8x128x128xf32>
    %max3A = arith.constant 0.000000e+00 : f32
    %max3A_28 = vector.broadcast %max3A : f32 to vector<8x128x128xf32>
    %max3A_29 = arith.maximumf %mul3A_27, %max3A_28 : vector<8x128x128xf32>
    %reshape3A = vector.shape_cast %max3A_29 : vector<8x128x128xf32> to vector<1024x128xf32>
    %get3A_30 = arith.constant 0 : index
    %get3A_31 = arith.constant 0 : index
    %get3A_32 = vector.load %arg5[%get3A_30, %get3A_31] : memref<128x128xf32, #tpu.memory_space<vmem>>, vector<128x128xf32>
    %dot_general3A = arith.constant dense<0.000000e+00> : vector<1024x128xf32>
    %dot_general3A_33 = tpu.matmul %reshape3A, %get3A_32, %dot_general3A {dimension_numbers = #tpu.dot_dimension_numbers<[1], [0], [0], [1], [0, 0, 1, 1], [], []>, transpose_lhs_hint = false} : vector<1024x128xf32>, vector<128x128xf32>, vector<1024x128xf32> -> vector<1024x128xf32>
    %get3A_34 = arith.constant 0 : index
    %get3A_35 = arith.constant 0 : index
    %get3A_36 = vector.load %arg6[%get3A_34, %get3A_35] : memref<1x128xf32, #tpu.memory_space<vmem>>, vector<1x128xf32>
    %add3A_37 = vector.broadcast %get3A_36 : vector<1x128xf32> to vector<1024x128xf32>
    %add3A_38 = arith.addf %dot_general3A_33, %add3A_37 : vector<1024x128xf32>
    %reduce_max3A = arith.constant dense<0xFF800000> : vector<1024xf32>
    %reduce_max3A_39 = vector.multi_reduction <maximumf>, %add3A_38, %reduce_max3A [1] : vector<1024x128xf32> to vector<1024xf32>
    %broadcast_in_dim3A_40 = vector.shape_cast %reduce_max3A_39 : vector<1024xf32> to vector<1024x1xf32>
    %sub3A = vector.broadcast %broadcast_in_dim3A_40 : vector<1024x1xf32> to vector<1024x128xf32>
    %sub3A_41 = arith.subf %add3A_38, %sub3A : vector<1024x128xf32>
    %exp3A = math.exp %sub3A_41 : vector<1024x128xf32>
    %reduce_sum3A_42 = arith.constant dense<0.000000e+00> : vector<1024xf32>
    %reduce_sum3A_43 = vector.multi_reduction <add>, %exp3A, %reduce_sum3A_42 [1] : vector<1024x128xf32> to vector<1024xf32>
    %broadcast_in_dim3A_44 = vector.shape_cast %reduce_sum3A_43 : vector<1024xf32> to vector<1024x1xf32>
    %log3A = math.log %broadcast_in_dim3A_44 : vector<1024x1xf32>
    %sub3A_45 = vector.broadcast %broadcast_in_dim3A_40 : vector<1024x1xf32> to vector<1024x128xf32>
    %sub3A_46 = arith.subf %add3A_38, %sub3A_45 : vector<1024x128xf32>
    %sub3A_47 = vector.broadcast %log3A : vector<1024x1xf32> to vector<1024x128xf32>
    %sub3A_48 = arith.subf %sub3A_46, %sub3A_47 : vector<1024x128xf32>
    %swap3A = arith.constant 0 : index
    %swap3A_49 = arith.constant 0 : index
    %swap3A_50 = vector.load %arg7[%swap3A, %swap3A_49] : memref<1024x128xf32, #tpu.memory_space<vmem>>, vector<1024x128xf32>
    tpu.vector_store %arg7[%swap3A, %swap3A_49], %sub3A_48 {strides = array<i32>} : memref<1024x128xf32, #tpu.memory_space<vmem>>, vector<1024x128xf32>,
    return
  }
  func.func @transform_0(%arg0: i32) -> (i32, i32, i32, i32) {
    %c0_i32 = arith.constant 0 : i32
    %c0_i32_0 = arith.constant 0 : i32
    %c0_i32_1 = arith.constant 0 : i32
    %c0_i32_2 = arith.constant 0 : i32
    return %c0_i32, %arg0, %c0_i32_0, %c0_i32_1 : i32, i32, i32, i32
  }
  func.func @transform_1(%arg0: i32) -> (i32, i32, i32, i32) {
    %c1_i32 = arith.constant 1 : i32
    %c0_i32 = arith.constant 0 : i32
    %c0_i32_0 = arith.constant 0 : i32
    %c0_i32_1 = arith.constant 0 : i32
    return %c1_i32, %arg0, %c0_i32, %c0_i32_0 : i32, i32, i32, i32
  }
  func.func @transform_2(%arg0: i32) -> (i32, i32, i32) {
    %c0_i32 = arith.constant 0 : i32
    %c0_i32_0 = arith.constant 0 : i32
    %c0_i32_1 = arith.constant 0 : i32
    return %arg0, %c0_i32, %c0_i32_0 : i32, i32, i32
  }
  func.func @transform_3(%arg0: i32) -> (i32, i32, i32) {
    %c0_i32 = arith.constant 0 : i32
    %c0_i32_0 = arith.constant 0 : i32
    %c0_i32_1 = arith.constant 0 : i32
    return %arg0, %c0_i32, %c0_i32_0 : i32, i32, i32
  }
  func.func @transform_4(%arg0: i32) -> (i32, i32) {
    %c0_i32 = arith.constant 0 : i32
    %c0_i32_0 = arith.constant 0 : i32
    %c0_i32_1 = arith.constant 0 : i32
    return %c0_i32, %c0_i32_0 : i32, i32
  }
  func.func @transform_5(%arg0: i32) -> (i32, i32) {
    %c0_i32 = arith.constant 0 : i32
    %c0_i32_0 = arith.constant 0 : i32
    %c0_i32_1 = arith.constant 0 : i32
    return %c0_i32, %c0_i32_0 : i32, i32
  }
  func.func @transform_6(%arg0: i32) -> (i32, i32) {
    %c0_i32 = arith.constant 0 : i32
    %c0_i32_0 = arith.constant 0 : i32
    return %arg0, %c0_i32 : i32, i32
  }
}

</mosaic_0001>

<sc_bundles>
// kernel: kernel.6.cloned.1.call-start
scs
__scs_entry_jumppad:
0x0: {  	(pc) =	sbr.rel $0x88, $3  }
0x1: {  	(tag) =	ssettag $0x0;
	lr =	simm.s32 $0x1  }
0x2: {  	[smem:$0x3F9B] =	sst lr;
	_ =	strace $0xD0000000  }
0x3: {  	_ = 	snop  }
0x4: {  	_ = 	snop  }
0x5: {  	_ = 	snop  }
0x6: {  	_ = 	snop  }
0x7: {  	_ = 	snop  }
__scs_overlays_trampoline_lowered:
0x8: {  	[smem:$0x3FAA] =	sst s0  }
0x9: {  	[smem:$0x3FAB] =	sst s1  }
0xa: {  	[smem:$0x3FAC] =	sst s2  }
0xb: {  	[smem:$0x3FAD] =	sst s3  }
0xc: {  	[smem:$0x3FAE] =	sst s4  }
0xd: {  	[smem:$0x3FAF] =	sst s5  }
0xe: {  	[smem:$0x3FB0] =	sst s6  }
0xf: {  	[smem:$0x3FB1] =	sst s7  }
0x10: {  	[smem:$0x3FB2] =	sst s8  }
0x11: {  	[smem:$0x3FB3] =	sst s9;
	s0 =	simm.s32 @!p0 $0x0  }
0x12: {  	s1 =	sld [smem:$0x3F99];
	s0 =	simm.s32 @p0 $0x1  }
0x13: {  	[smem:$0x3FB4] =	sst s0;
	s0 =	simm.s32 @!p1 $0x0  }
0x14: {  	s2 =	sld [smem:$0x3F98];
	s0 =	simm.s32 @p1 $0x1  }
0x15: {  	[smem:$0x3FB5] =	sst s0;
	s0 =	simm.s32 @!p2 $0x0  }
0x16: {  	s3 =	sld [smem:$0x3FDB];
	s0 =	simm.s32 @p2 $0x1  }
0x17: {  	s4 =	simm.s32 $0x1BF5;
	[smem:$0x3FB7] =	sst s0  }
0x18: {  	s0 =	sld [smem:$0x3F9A];
	_ =	swait.ge [sflag:s4], $0x0  }
0x19: {  	s7 =	sld [smem:$0x3F9B]  }
0x1a: {  	s8 =	sadd.s32 $0xFFFFE003, lr  }
0x1b: {  	s9 =	sadd.s32 $0xFFFFFEF7, lr;
	s5 =	simm.s32 $0xFFFFFFFF;
	p2 =	slt.u32 s8, $0xFFFFF086  }
0x1c: {  	p1 =	slt.u32 s9, $0xF7A;
	s5 =	simm.s32 @!p2 $0x0  }
0x1d: {  	s5 =	simm.s32 @p1 $0x1;
	p0 =	seq.s32 s7, s2  }
0x1e: {  	s7 =	smul.u32 @!p0 $0xF7A, s2;
	p2 =	seq.s32 @!p0 s5, $0x0  }
0x1f: {  	s9 =	smul.u32 $0xF7A, s1;
	s8 =	simm.s32 @!p0 $0x1BF5;
	p2 =	por !p2, p0  }
0x20: {  	[sflag:s8] =	ssyncset.s32 @!p0 $0xFFFFF086;
	s6 =	sadd.s32 @!p0 s3, s7;
	s7 =	simm.s32 @!p0 $0x108  }
0x21: {  	s3 =	sadd.s32 s3, s9;
	s6 =	sadd.s32 @!p0 $0x88, s6;
	s7 =	simm.s32 @p2 $0x1082  }
0x22: {  	[simem:s7], [sflag:s8] =	dma.local @!p0 [hbm:s6], $0xF7A  }
0x23: {  	s9 =	sor.u32 $0xD0000000, s2;
	s6 =	simm.s32 $0x108;
	_ =	swait.ge @!p0 [sflag:s8], $0x0  }
0x24: {  	s3 =	sadd.s32 $0x88, s3;
	s6 =	simm.s32 @!p1 $0x1082;
	[sflag:s4] =	ssyncset.s32 $0xFFFFF086  }
0x25: {  	[simem:s6], [sflag:s4] =	dma.local [hbm:s3], $0xF7A  }
0x26: {  	[smem:$0x3F9B] =	sst s1;
	(tag) =	ssettag s2;
	_ =	strace s9  }
0x27: {  	s1 =	sld [smem:$0x3FAB]  }
0x28: {  	s2 =	sld [smem:$0x3FAC]  }
0x29: {  	s4 =	sld [smem:$0x3FAE]  }
0x2a: {  	p0 =	seq.s32 s5, $0x0;
	s5 =	sld [smem:$0x3FAF]  }
0x2b: {  	s6 =	sld [smem:$0x3FB0]  }
0x2c: {  	s7 =	sld [smem:$0x3FB1]  }
0x2d: {  	s3 =	simm.s32 $0x108;
	s8 =	sld [smem:$0x3FB2]  }
0x2e: {  	s3 =	simm.s32 @!p0 $0x1082;
	s9 =	sld [smem:$0x3FB3]  }
0x2f: {  	lr =	sadd.s32 s0, s3;
	s0 =	sld [smem:$0x3FAA]  }
0x30: {  	s3 =	sld [smem:$0x3FAD]  }
0x31: {  	[smem:$0x3FB6] =	sst s10  }
0x32: {  	s10 =	sld [smem:$0x3FB4];
	_ =	sdelay $0x3  }
0x33: {  	p0 =	seq.s32 s10, $0x1;
	s10 =	sld [smem:$0x3FB6];
	_ =	sdelay $0x3  }
0x34: {  	[smem:$0x3FB6] =	sst s10  }
0x35: {  	s10 =	sld [smem:$0x3FB5];
	_ =	sdelay $0x3  }
0x36: {  	p1 =	seq.s32 s10, $0x1;
	s10 =	sld [smem:$0x3FB6];
	_ =	sdelay $0x3  }
0x37: {  	[smem:$0x3FB6] =	sst s10  }
0x38: {  	s10 =	sld [smem:$0x3FB7]  }
0x39: {  	_ = 	snop;
	(pc) =	sbr.ind lr, $3  }
0x3a: {  	_ = 	snop  }
0x3b: {  	_ = 	snop  }
0x3c: {  	p2 =	seq.s32 s10, $0x1;
	s10 =	sld [smem:$0x3FB6]  }
0x3d: {  	_ =	shalt  }
0x3e: {  	_ =	shalt  }
0x3f: {  	_ =	shalt  }
0x40: {  	_ =	shalt  }
0x41: {  	_ =	shalt  }
0x42: {  	_ =	shalt  }
0x43: {  	_ =	shalt  }
0x44: {  	_ =	shalt  }
0x45: {  	_ =	shalt  }
0x46: {  	_ =	shalt  }
0x47: {  	_ =	shalt  }
0x48: {  	_ =	shalt  }
0x49: {  	_ =	shalt  }
0x4a: {  	_ =	shalt  }
0x4b: {  	_ =	shalt  }
0x4c: {  	_ =	shalt  }
0x4d: {  	_ =	shalt  }
0x4e: {  	_ =	shalt  }
0x4f: {  	_ =	shalt  }
0x50: {  	_ =	shalt  }
0x51: {  	_ =	shalt  }
0x52: {  	_ =	shalt  }
0x53: {  	_ =	shalt  }
0x54: {  	_ =	shalt  }
0x55: {  	_ =	shalt  }
0x56: {  	_ =	shalt  }
0x57: {  	_ =	shalt  }
0x58: {  	_ =	shalt  }
0x59: {  	_ =	shalt  }
0x5a: {  	_ =	shalt  }
0x5b: {  	_ =	shalt  }
0x5c: {  	_ =	shalt  }
0x5d: {  	_ =	shalt  }
0x5e: {  	_ =	shalt  }
0x5f: {  	_ =	shalt  }
0x60: {  	_ =	shalt  }
0x61: {  	_ =	shalt  }
0x62: {  	_ =	shalt  }
0x63: {  	_ =	shalt  }
0x64: {  	_ =	shalt  }
0x65: {  	_ =	shalt  }
0x66: {  	_ =	shalt  }
0x67: {  	_ =	shalt  }
0x68: {  	_ =	shalt  }
0x69: {  	_ =	shalt  }
0x6a: {  	_ =	shalt  }
0x6b: {  	_ =	shalt  }
0x6c: {  	_ =	shalt  }
0x6d: {  	_ =	shalt  }
0x6e: {  	_ =	shalt  }
0x6f: {  	_ =	shalt  }
0x70: {  	_ =	shalt  }
0x71: {  	_ =	shalt  }
0x72: {  	_ =	shalt  }
0x73: {  	_ =	shalt  }
0x74: {  	_ =	shalt  }
0x75: {  	_ =	shalt  }
0x76: {  	_ =	shalt  }
0x77: {  	_ =	shalt  }
0x78: {  	_ =	shalt  }
0x79: {  	_ =	shalt  }
0x7a: {  	_ =	shalt  }
0x7b: {  	_ =	shalt  }
0x7c: {  	_ =	shalt  }
0x7d: {  	_ =	shalt  }
0x7e: {  	_ =	shalt  }
0x7f: {  	_ =	shalt  }
0x80: {  	_ =	shalt  }
0x81: {  	_ =	shalt  }
0x82: {  	_ =	shalt  }
0x83: {  	_ =	shalt  }
0x84: {  	_ =	shalt  }
0x85: {  	_ =	shalt  }
0x86: {  	_ =	shalt  }
0x87: {  	_ =	shalt  }
.Lfunc_end0:
.L_simem_size_0:
called_computation_lowered:
.L_overlay_start_0:
0x88: {  	s2 =	sld [smem:$0x3FD9]  }
0x89: {  	s3 =	sld [smem:$0x3FFE];
	_ =	sdelay $0x1  }
0x8a: {  	s1 =	srdreg.scid  }
0x8b: {  	s0 =	sand.u32 $0x1, s1  }
0x8c: {  	s17 =	sshll.u32 s0, $0xA;
	s2 =	sadd.s32 s3, s2  }
0x8d: {  	s2 =	sadd.s32 s2, s17  }
0x8e: {  	[smem:$0x3FC2] =	sst s2  }
0x8f: {  	_ = 	snop  }
0x90: {  	s2 =	sld [smem:$0x3FD0];
	(tm) =	ssettm $0x1  }
0x91: {  	s18 =	sld [smem:$0x3FFB];
	_ =	sdelay $0x3  }
0x92: {  	_ =	strace s18  }
0x93: {  	s3 =	sld [smem:$0x3FFC];
	_ =	sdelay $0x3  }
0x94: {  	_ =	strace s3  }
0x95: {  	s3 =	sld [smem:$0x3FFD];
	_ =	sdelay $0x3  }
0x96: {  	_ =	strace s3  }
0x97: {  	_ =	strace $0x8FFFFFFF  }
0x98: {  	s19 =	sld [smem:$0x3FDB];
	_ =	sdelay $0x1  }
0x99: {  	s4 =	simm.s32 $_scs_section_size  }
0x9a: {  	s5 =	simm.s32 $_size__tile_overlayer_lowered;
	s6 =	simm.s32 $_tile_overlayer_lowered  }
0x9b: {  	s22 =	simm.s32 $0x1BFF;
	s21 =	sshll.u32 s6, $0x1;
	s3 =	sadd.s32 s4, s19  }
0x9c: {  	s7 =	simm.s32 $0x0;
	s20 =	sshll.u32 s5, $0x1;
	s5 =	sadd.s32 s21, s3  }
0x9d: {  	[timem:s7], [sflag:s22] =	dma.local [hbm:s5], s20  }
0x9e: {  	_ =	swait.ge [sflag:s22], s20  }
0x9f: {  	s4 =	ssub.s32 $0x0, s20;
	[sflag:s22] =	ssyncset.done $0x0  }
0xa0: {  	[sflag:s22] =	ssyncadd.s32 s4;
	_ =	sdelay $0x1  }
0xa1: {  	s23 =	simm.s32 $0x1B8B  }
0xa2: {  	_ =	swait.ge [sflag:s23], $0x1  }
0xa3: {  	[sflag:s23] =	ssyncset.done $0x0  }
0xa4: {  	s25 =	simm.s32 $0x1B8E;
	s24 =	sld [smem:$0x3FFE];
	[sflag:s23] =	ssyncadd.s32 $0xFFFFFFFF  }
0xa5: {  	s26 =	simm.s32 $execute0_lowered;
	[smem:$0x3FD2] =	sst s25  }
0xa6: {  	s5 =	sshll.u32 s26, $0x1;
	_ =	strace $0x80000046;
	[dreg:$0x1] =	wrdreg $0xFFFFFFFF  }
0xa7: {  	s28 =	simm.s32 $_size_execute0_lowered;
	s3 =	sadd.s32 s3, s5;
	[dreg:$0x0] =	wrdreg $0x0  }
0xa8: {  	s5 =	sshll.u32 s28, $0x1;
	[dreg:$0x2] =	wrdreg s3  }
0xa9: {  	[dreg:$0x3] =	wrdreg s5  }
0xaa: {  	[dreg:$0x4] =	wrdreg $0xC0  }
0xab: {  	_ =	task [dreg:s7], $0x5FFFF  }
0xac: {  	[dreg:$0x1] =	wrdreg $0xFFFFFFFF  }
0xad: {  	[dreg:$0x0] =	wrdreg $0x60  }
0xae: {  	[dreg:$0x2] =	wrdreg s24  }
0xaf: {  	[dreg:$0x3] =	wrdreg s2  }
0xb0: {  	[dreg:$0x4] =	wrdreg $0x9  }
0xb1: {  	_ =	task.clear_ibuf [dreg:s7], $0x5FFFF;
	_ =	strace $0x90000046  }
0xb2: {  	s29 =	simm.s32 $0x9;
	_ =	strace $0x80000048  }
0xb3: {  	_ =	swait.ge [sflag:s29], $0x1  }
0xb4: {  	[sflag:s29] =	ssyncadd.s32 $0xFFFFFFFF  }
0xb5: {  	_ =	strace $0x90000048  }
0xb6: {  	_ =	sfence  }
0xb7: {  	s30 =	sld [smem:$0x0];
	_ =	sdelay $0x2  }
0xb8: {  	s31 =	sshll.u32 s1, $0xD;
	s1 =	sshrl.u32 s1, $0x2  }
0xb9: {  	s3 =	sand.u32 $0x4000, s31;
	s1 =	sadd.s32 s1, s30  }
0xba: {  	s0 =	sor.u32 s3, s0;
	s1 =	sshll.u32 s1, $0x11  }
0xbb: {  	s0 =	sor.u32 s1, s0  }
0xbc: {  	s0 =	sadd.s32 $0x8F2B, s0  }
0xbd: {  	[sflag:s0] =	ssyncadd.remote.s32 $0x1  }
0xbe: {  	_ =	sfence.sel $0xFFFF  }
0xbf: {  	[dreg:$0x0] =	wrdreg $0xFFFFFFFF;
	(pc) =	sbr.abs _section_cstart, $3  }
0xc0: {  	[dreg:$0x1] =	wrdreg $0xFFFFFFFF  }
0xc1: {  	_ =	task.clear_ibuf [dreg:s7], $0x2FFFF;
	_ =	strace $0x9FFFFFFF  }
0xc2: {  	(tm) =	ssettm $0x7FFFFFFF  }
0xc3: {  	_ =	shalt  }
tec
execute0_lowered:
.L_overlay_start_1:
0x0: {  	(tag) =	ssettag $0x1  }
0x1: {  	s0 =	srdreg.scid;
	s3 =	rddreg [dreg:$0x0]  }
0x2: {  	s7 =	rddreg [dreg:$0x1];
	s1 =	stileid.u32;
	s6 =	simm.s32 $0x1  }
0x3: {  	s12 =	simm.s32 $0x20;
	s4 =	sand.u32 $0x1, s0;
	s0 =	rddreg [dreg:$0x2]  }
0x4: {  	s5 =	sand.u32 $0x3, s1;
	s25 =	sadd.s32 $0x1400, s3;
	s3 =	simm.s32 $0x1  }
0x5: {  	s13 =	sshll.u32 s1, $0x7;
	s2 =	sshll.u32 s4, $0x4;
	p1 =	sne.s32 s5, $0x0  }
0x6: {  	s4 =	ssub.s32 $0x2, s4;
	s13 =	sand.u32 $0x380, s13;
	s11 =	sor.u32 s1, s2  }
0x7: {  	s2 =	simm.s32 $0x0;
	s9 =	sshrl.u32 s4, $0x1;
	p0 =	seq.s32 s11, $0x0  }
0x8: {  	[smem:$0x7FF] =	sst s2;
	s8 =	sshrl.u32 s11, $0x2;
	s10 =	smul.u32 $0x50, s11  }
0x9: {  	s9 =	ssub.s32 s4, s9;
	s28 =	sshrl.u32 s11, $0x3;
	p0 =	por !p1, !p0  }
0xa: {  	_ =	strace $0x80000047;
	p1 =	seq.s32 s11, $0x1F;
	p0 =	por !p0, !p0  }
0xb: {  	s12 =	simm.s32 @!p1 $0x0;
	p1 =	sne.s32 s11, $0x1F;
	s6 =	simm.s32 @!p0 $0x0  }
0xc: {  	p0 =	seq.s32 s5, $0x3;
	s5 =	smul.u32 $0x14000, s28;
	s6 =	ssub.s32 s6, s8  }
0xd: {  	s11 =	simm.s32 $0x80;
	s8 =	smax.u32 s9, $0x1;
	s26 =	sshll.u32 s6, $0x3  }
0xe: {  	s13 =	sor.u32 s13, s5;
	s4 =	sadd.s32 s10, s26;
	s10 =	simm.s32 $0x240  }
0xf: {  	s30 =	sshrl.u32 s13, $0x3;
	s13 =	simm.s32 $0x0;
	s10 =	simm.s32 @!p0 $0x280  }
0x10: {  	s29 =	sshll.u32 s4, $0x7;
	s4 =	sshll.u32 s4, $0x4;
	s7 =	sadd.s32 s7, s30  }
0x11: {  	s6 =	sadd.s32 $0x2400, s29;
	s4 =	sadd.s32 s25, s4;
	s31 =	sor.u32 s10, s12  }
0x12: {  	s10 =	simm.s32 $0x2800;
	s12 =	simm.s32 $0x400;
	s6 =	sshrl.u32 s6, $0x3  }
0x13: {  	v0 =	vimm.f32 $0.0e+00;
	v1 =	vimm.f32 $1.000000000e+00;
	s9 =	sshll.u32 s31, $0x6;
	s5 =	sadd.s32 s25, s6;
	s6 =	sadd.s32 $0x480, s4  }
.LBB2_1:
0x14: {  	s14 =	simm.s32 $0x40;
	s15 =	simm.s32 $0x0  }
.LBB2_2:
0x15: {  	p2 =	sne.s32 s14, $0x9FC0;
	[tilespmem:s15+$0x0] =	vst v0;
	s15 =	smov.u32 s14;
	s14 =	sadd.s32 $0x40, s14  }
.Ltmp0:
0x16: {  	(pc) =	sbr.rel @p2 .LBB2_2-.Ltmp0, $2  }
0x17: {  	_ =	sdelay $0x2  }
0x18: {  	s15 =	sshra.s32 s15, $0x2  }
0x19: {  	[tilespmem:s15+$0x0] =	vst v0  }
0x1a: {  	[tilespmem:s10], [sflag:$0x1] =	stream.linear.gather [hbm4b:s4+s2], $0x2400, $0x38;
	[tilespmem:$0x5000] =	vst v63  }
0x1b: {  	_ =	swait.ge [sflag:s3], $0x2400  }
0x1c: {  	[sflag:s3] =	ssyncset.done $0x0  }
0x1d: {  	s14 =	simm.s32 @!p0 $0x0;
	s15 =	simm.s32 @!p0 $0x4C00;
	[sflag:s3] =	ssyncadd.s32 $0xFFFFDC00  }
0x1e: {  	[tilespmem:s15], [sflag:$0x1] =	stream.linear.gather @!p0 [hbm4b:s5+s14], $0x400, $0x38;
	[tilespmem:$0x5000] =	vst v63  }
0x1f: {  	s14 =	simm.s32 @!p0 $0x1  }
0x20: {  	_ =	swait.ge @!p0 [sflag:s14], $0x400  }
0x21: {  	p2 =	sne.s32 s9, $0x40;
	[sflag:s14] =	ssyncset.done @!p0 $0x0  }
0x22: {  	s15 =	simm.s32 @!p1 $0x4C00;
	[sflag:s14] =	ssyncadd.s32 @!p0 $0xFFFFFC00;
	s14 =	simm.s32 @!p1 $0x0  }
0x23: {  	[tilespmem:s15], [sflag:$0x1] =	stream.linear.gather @!p1 [hbm4b:s6+s14], $0x200, $0x38;
	[tilespmem:$0x5000] =	vst v63  }
.Ltmp1:
0x24: {  	s15 =	simm.s32 @!p1 $0x1;
	s14 =	simm.s32 $0x0;
	(pc) =	sbr.rel @!p2 .LBB2_5-.Ltmp1, $4  }
0x25: {  	_ =	swait.ge @!p1 [sflag:s15], $0x200;
	s16 =	sand.u32 $0xFFFFFE00, s14  }
0x26: {  	s17 =	sand.u32 $0x70, s14;
	[sflag:s15] =	ssyncset.done @!p1 $0x0;
	s16 =	sshra.s32 s16, $0x2  }
0x27: {  	[sflag:s15] =	ssyncadd.s32 @!p1 $0xFFFFFE00;
	s16 =	sor.u32 s17, s16  }
0x28: {  	s15 =	simm.s32 $0x40;
	v2 =	vld [tilespmem:s16+$0x2800]  }
.LBB2_4:
0x29: {  	_ =	sdelay $0x1  }
0x2a: {  	s16 =	sand.u32 $0xFFFFFE00, s15;
	s15 =	sadd.s32 $0x40, s15  }
0x2b: {  	p2 =	sne.s32 s9, s15  }
.Ltmp2:
0x2c: {  	_ = 	snop;
	(pc) =	sbr.rel @p2 .LBB2_4-.Ltmp2, $4  }
0x2d: {  	s14 =	sadd.s32 $0x10, s14  }
0x2e: {  	s17 =	sand.u32 $0x70, s14;
	s16 =	sshra.s32 s16, $0x2  }
0x2f: {  	s16 =	sor.u32 s17, s16;
	[tilespmem:v2+s2+$0x0] =	vst.idx.add.f32.msk $0xffff, v1  }
0x30: {  	v2 =	vld [tilespmem:s16+$0x2800]  }
.LBB2_5:
0x31: {  	_ =	sdelay $0x5  }
0x32: {  	s13 =	sadd.s32 $0x1, s13  }
0x33: {  	p2 =	sne.s32 s13, s8  }
.Ltmp3:
0x34: {  	[tilespmem:v2+s2+$0x0] =	vst.idx.add.f32.msk $0xffff, v1;
	(pc) =	sbr.rel @p2 .LBB2_1-.Ltmp3, $4  }
0x35: {  	[hbm4b:s7+s11] =	stream.strided.scatter [tilespmem:s2], [sflag:$0x1], $0x2800, s12, s11, $0x38;
	[tilespmem:$0x5000] =	vst v63  }
0x36: {  	_ =	swait.ge [sflag:s3], $0x2800  }
0x37: {  	[sflag:s3] =	ssyncset.done $0x0  }
0x38: {  	[sflag:s3] =	ssyncadd.s32 $0xFFFFD800  }
0x39: {  	_ =	sfence.sel $0x180000  }
0x3a: {  	[bflag:$0x0] =	sbarrier.arrive $0xFFFF  }
0x3b: {  	p0 =	sne.s32 s1, $0x0;
	_ =	strace $0x90000047  }
0x3c: {  	s0 =	sadd.s32 @!p0 $0x100000, s0;
	[bflag:$0x2] =	sbarrier.arrive $0xFFFF  }
0x3d: {  	[sflag:s0] =	ssyncadd.tile.s32 @!p0 $0x1;
	_ =	shalt  }
.Lfunc_end2:
_tile_overlayer_lowered:
.L_overlay_start_2:
0x3e: {  	(tag) =	ssettag $0x2  }
0x3f: {  	s0 =	rddreg [dreg:$0x0];
	s2 =	stileid.u32  }
0x40: {  	s1 =	rddreg [dreg:$0x1];
	p0 =	sne.s32 s2, $0x0  }
0x41: {  	s3 =	rddreg [dreg:$0x2];
	[bflag:$0x3] =	sbarrier.arrive $0xFFFF;
	s2 =	simm.s32 @!p0 $0x1C01  }
0x42: {  	[timem:s3], [sflag:s2] =	dma.local @!p0 [hbm:s0], s1  }
0x43: {  	s0 =	simm.s32 @!p0 $0x1  }
0x44: {  	_ =	swait.ge @!p0 [sflag:s0], s1  }
0x45: {  	s1 =	ssub.s32 @!p0 $0x0, s1;
	[sflag:s0] =	ssyncset.done @!p0 $0x0  }
0x46: {  	[sflag:s0] =	ssyncadd.s32 @!p0 s1  }
0x47: {  	[bflag:$0x3] =	sbarrier.arrive $0xFFFF  }
0x48: {  	_ =	shalt  }

// kernel: kernel.9.cloned.1.call-start
scs
__scs_entry_jumppad:
0x0: {  	(pc) =	sbr.rel $0x88, $3  }
0x1: {  	(tag) =	ssettag $0x0;
	lr =	simm.s32 $0x1  }
0x2: {  	[smem:$0x3F9B] =	sst lr;
	_ =	strace $0xD0000000  }
0x3: {  	_ = 	snop  }
0x4: {  	_ = 	snop  }
0x5: {  	_ = 	snop  }
0x6: {  	_ = 	snop  }
0x7: {  	_ = 	snop  }
__scs_overlays_trampoline_lowered:
0x8: {  	[smem:$0x3FAA] =	sst s0  }
0x9: {  	[smem:$0x3FAB] =	sst s1  }
0xa: {  	[smem:$0x3FAC] =	sst s2  }
0xb: {  	[smem:$0x3FAD] =	sst s3  }
0xc: {  	[smem:$0x3FAE] =	sst s4  }
0xd: {  	[smem:$0x3FAF] =	sst s5  }
0xe: {  	[smem:$0x3FB0] =	sst s6  }
0xf: {  	[smem:$0x3FB1] =	sst s7  }
0x10: {  	[smem:$0x3FB2] =	sst s8  }
0x11: {  	[smem:$0x3FB3] =	sst s9;
	s0 =	simm.s32 @!p0 $0x0  }
0x12: {  	s1 =	sld [smem:$0x3F99];
	s0 =	simm.s32 @p0 $0x1  }
0x13: {  	[smem:$0x3FB4] =	sst s0;
	s0 =	simm.s32 @!p1 $0x0  }
0x14: {  	s2 =	sld [smem:$0x3F98];
	s0 =	simm.s32 @p1 $0x1  }
0x15: {  	[smem:$0x3FB5] =	sst s0;
	s0 =	simm.s32 @!p2 $0x0  }
0x16: {  	s3 =	sld [smem:$0x3FDB];
	s0 =	simm.s32 @p2 $0x1  }
0x17: {  	s4 =	simm.s32 $0x1BF5;
	[smem:$0x3FB7] =	sst s0  }
0x18: {  	s0 =	sld [smem:$0x3F9A];
	_ =	swait.ge [sflag:s4], $0x0  }
0x19: {  	s7 =	sld [smem:$0x3F9B]  }
0x1a: {  	s8 =	sadd.s32 $0xFFFFE003, lr  }
0x1b: {  	s9 =	sadd.s32 $0xFFFFFEF7, lr;
	s5 =	simm.s32 $0xFFFFFFFF;
	p2 =	slt.u32 s8, $0xFFFFF086  }
0x1c: {  	p1 =	slt.u32 s9, $0xF7A;
	s5 =	simm.s32 @!p2 $0x0  }
0x1d: {  	s5 =	simm.s32 @p1 $0x1;
	p0 =	seq.s32 s7, s2  }
0x1e: {  	s7 =	smul.u32 @!p0 $0xF7A, s2;
	p2 =	seq.s32 @!p0 s5, $0x0  }
0x1f: {  	s9 =	smul.u32 $0xF7A, s1;
	s8 =	simm.s32 @!p0 $0x1BF5;
	p2 =	por !p2, p0  }
0x20: {  	[sflag:s8] =	ssyncset.s32 @!p0 $0xFFFFF086;
	s6 =	sadd.s32 @!p0 s3, s7;
	s7 =	simm.s32 @!p0 $0x108  }
0x21: {  	s3 =	sadd.s32 s3, s9;
	s6 =	sadd.s32 @!p0 $0x88, s6;
	s7 =	simm.s32 @p2 $0x1082  }
0x22: {  	[simem:s7], [sflag:s8] =	dma.local @!p0 [hbm:s6], $0xF7A  }
0x23: {  	s9 =	sor.u32 $0xD0000000, s2;
	s6 =	simm.s32 $0x108;
	_ =	swait.ge @!p0 [sflag:s8], $0x0  }
0x24: {  	s3 =	sadd.s32 $0x88, s3;
	s6 =	simm.s32 @!p1 $0x1082;
	[sflag:s4] =	ssyncset.s32 $0xFFFFF086  }
0x25: {  	[simem:s6], [sflag:s4] =	dma.local [hbm:s3], $0xF7A  }
0x26: {  	[smem:$0x3F9B] =	sst s1;
	(tag) =	ssettag s2;
	_ =	strace s9  }
0x27: {  	s1 =	sld [smem:$0x3FAB]  }
0x28: {  	s2 =	sld [smem:$0x3FAC]  }
0x29: {  	s4 =	sld [smem:$0x3FAE]  }
0x2a: {  	p0 =	seq.s32 s5, $0x0;
	s5 =	sld [smem:$0x3FAF]  }
0x2b: {  	s6 =	sld [smem:$0x3FB0]  }
0x2c: {  	s7 =	sld [smem:$0x3FB1]  }
0x2d: {  	s3 =	simm.s32 $0x108;
	s8 =	sld [smem:$0x3FB2]  }
0x2e: {  	s3 =	simm.s32 @!p0 $0x1082;
	s9 =	sld [smem:$0x3FB3]  }
0x2f: {  	lr =	sadd.s32 s0, s3;
	s0 =	sld [smem:$0x3FAA]  }
0x30: {  	s3 =	sld [smem:$0x3FAD]  }
0x31: {  	[smem:$0x3FB6] =	sst s10  }
0x32: {  	s10 =	sld [smem:$0x3FB4];
	_ =	sdelay $0x3  }
0x33: {  	p0 =	seq.s32 s10, $0x1;
	s10 =	sld [smem:$0x3FB6];
	_ =	sdelay $0x3  }
0x34: {  	[smem:$0x3FB6] =	sst s10  }
0x35: {  	s10 =	sld [smem:$0x3FB5];
	_ =	sdelay $0x3  }
0x36: {  	p1 =	seq.s32 s10, $0x1;
	s10 =	sld [smem:$0x3FB6];
	_ =	sdelay $0x3  }
0x37: {  	[smem:$0x3FB6] =	sst s10  }
0x38: {  	s10 =	sld [smem:$0x3FB7]  }
0x39: {  	_ = 	snop;
	(pc) =	sbr.ind lr, $3  }
0x3a: {  	_ = 	snop  }
0x3b: {  	_ = 	snop  }
0x3c: {  	p2 =	seq.s32 s10, $0x1;
	s10 =	sld [smem:$0x3FB6]  }
0x3d: {  	_ =	shalt  }
0x3e: {  	_ =	shalt  }
0x3f: {  	_ =	shalt  }
0x40: {  	_ =	shalt  }
0x41: {  	_ =	shalt  }
0x42: {  	_ =	shalt  }
0x43: {  	_ =	shalt  }
0x44: {  	_ =	shalt  }
0x45: {  	_ =	shalt  }
0x46: {  	_ =	shalt  }
0x47: {  	_ =	shalt  }
0x48: {  	_ =	shalt  }
0x49: {  	_ =	shalt  }
0x4a: {  	_ =	shalt  }
0x4b: {  	_ =	shalt  }
0x4c: {  	_ =	shalt  }
0x4d: {  	_ =	shalt  }
0x4e: {  	_ =	shalt  }
0x4f: {  	_ =	shalt  }
0x50: {  	_ =	shalt  }
0x51: {  	_ =	shalt  }
0x52: {  	_ =	shalt  }
0x53: {  	_ =	shalt  }
0x54: {  	_ =	shalt  }
0x55: {  	_ =	shalt  }
0x56: {  	_ =	shalt  }
0x57: {  	_ =	shalt  }
0x58: {  	_ =	shalt  }
0x59: {  	_ =	shalt  }
0x5a: {  	_ =	shalt  }
0x5b: {  	_ =	shalt  }
0x5c: {  	_ =	shalt  }
0x5d: {  	_ =	shalt  }
0x5e: {  	_ =	shalt  }
0x5f: {  	_ =	shalt  }
0x60: {  	_ =	shalt  }
0x61: {  	_ =	shalt  }
0x62: {  	_ =	shalt  }
0x63: {  	_ =	shalt  }
0x64: {  	_ =	shalt  }
0x65: {  	_ =	shalt  }
0x66: {  	_ =	shalt  }
0x67: {  	_ =	shalt  }
0x68: {  	_ =	shalt  }
0x69: {  	_ =	shalt  }
0x6a: {  	_ =	shalt  }
0x6b: {  	_ =	shalt  }
0x6c: {  	_ =	shalt  }
0x6d: {  	_ =	shalt  }
0x6e: {  	_ =	shalt  }
0x6f: {  	_ =	shalt  }
0x70: {  	_ =	shalt  }
0x71: {  	_ =	shalt  }
0x72: {  	_ =	shalt  }
0x73: {  	_ =	shalt  }
0x74: {  	_ =	shalt  }
0x75: {  	_ =	shalt  }
0x76: {  	_ =	shalt  }
0x77: {  	_ =	shalt  }
0x78: {  	_ =	shalt  }
0x79: {  	_ =	shalt  }
0x7a: {  	_ =	shalt  }
0x7b: {  	_ =	shalt  }
0x7c: {  	_ =	shalt  }
0x7d: {  	_ =	shalt  }
0x7e: {  	_ =	shalt  }
0x7f: {  	_ =	shalt  }
0x80: {  	_ =	shalt  }
0x81: {  	_ =	shalt  }
0x82: {  	_ =	shalt  }
0x83: {  	_ =	shalt  }
0x84: {  	_ =	shalt  }
0x85: {  	_ =	shalt  }
0x86: {  	_ =	shalt  }
0x87: {  	_ =	shalt  }
.Lfunc_end0:
.L_simem_size_0:
called_computation.1_lowered:
.L_overlay_start_0:
0x88: {  	s2 =	sld [smem:$0x3FD9]  }
0x89: {  	s3 =	sld [smem:$0x3FFE];
	_ =	sdelay $0x1  }
0x8a: {  	s1 =	srdreg.scid  }
0x8b: {  	s0 =	sand.u32 $0x1, s1  }
0x8c: {  	s16 =	sshll.u32 s0, $0xA;
	s2 =	sadd.s32 s3, s2  }
0x8d: {  	s2 =	sadd.s32 s2, s16  }
0x8e: {  	[smem:$0x3FC2] =	sst s2  }
0x8f: {  	_ = 	snop  }
0x90: {  	(tm) =	ssettm $0x1  }
0x91: {  	s17 =	sld [smem:$0x3FFB];
	_ =	sdelay $0x3  }
0x92: {  	_ =	strace s17  }
0x93: {  	s2 =	sld [smem:$0x3FFC];
	_ =	sdelay $0x3  }
0x94: {  	_ =	strace s2  }
0x95: {  	s2 =	sld [smem:$0x3FFD];
	_ =	sdelay $0x3  }
0x96: {  	_ =	strace s2  }
0x97: {  	_ =	strace $0x8FFFFFFF  }
0x98: {  	s18 =	sld [smem:$0x3FDB];
	_ =	sdelay $0x1  }
0x99: {  	s19 =	simm.s32 $_scs_section_size  }
0x9a: {  	s4 =	simm.s32 $_size__tile_overlayer_lowered;
	s5 =	simm.s32 $_tile_overlayer_lowered  }
0x9b: {  	s22 =	simm.s32 $0x1BFF;
	s21 =	sshll.u32 s5, $0x1;
	s2 =	sadd.s32 s19, s18  }
0x9c: {  	s6 =	simm.s32 $0x0;
	s20 =	sshll.u32 s4, $0x1;
	s4 =	sadd.s32 s21, s2  }
0x9d: {  	[timem:s6], [sflag:s22] =	dma.local [hbm:s4], s20  }
0x9e: {  	_ =	swait.ge [sflag:s22], s20  }
0x9f: {  	s3 =	ssub.s32 $0x0, s20;
	[sflag:s22] =	ssyncset.done $0x0  }
0xa0: {  	[sflag:s22] =	ssyncadd.s32 s3;
	_ =	sdelay $0x1  }
0xa1: {  	s23 =	simm.s32 $0x1B8B  }
0xa2: {  	_ =	swait.ge [sflag:s23], $0x1  }
0xa3: {  	[sflag:s23] =	ssyncset.done $0x0  }
0xa4: {  	s25 =	simm.s32 $0x1B8E;
	s24 =	sld [smem:$0x3FFE];
	[sflag:s23] =	ssyncadd.s32 $0xFFFFFFFF  }
0xa5: {  	s26 =	simm.s32 $execute0_lowered;
	[smem:$0x3FD2] =	sst s25  }
0xa6: {  	s4 =	sshll.u32 s26, $0x1;
	_ =	strace $0x80000049;
	[dreg:$0x1] =	wrdreg $0xFFFFFFFF  }
0xa7: {  	s28 =	simm.s32 $_size_execute0_lowered;
	s2 =	sadd.s32 s2, s4;
	[dreg:$0x0] =	wrdreg $0x0  }
0xa8: {  	s4 =	sshll.u32 s28, $0x1;
	[dreg:$0x2] =	wrdreg s2  }
0xa9: {  	[dreg:$0x3] =	wrdreg s4  }
0xaa: {  	[dreg:$0x4] =	wrdreg $0xC0  }
0xab: {  	_ =	task [dreg:s6], $0x5FFFF  }
0xac: {  	[dreg:$0x1] =	wrdreg $0xFFFFFFFF  }
0xad: {  	[dreg:$0x0] =	wrdreg $0x60  }
0xae: {  	[dreg:$0x2] =	wrdreg s24  }
0xaf: {  	[dreg:$0x3] =	wrdreg $0xA9000  }
0xb0: {  	[dreg:$0x4] =	wrdreg $0x9  }
0xb1: {  	_ =	task.clear_ibuf [dreg:s6], $0x5FFFF;
	_ =	strace $0x90000049  }
0xb2: {  	s29 =	simm.s32 $0x9;
	_ =	strace $0x8000004B  }
0xb3: {  	_ =	swait.ge [sflag:s29], $0x1  }
0xb4: {  	[sflag:s29] =	ssyncadd.s32 $0xFFFFFFFF  }
0xb5: {  	_ =	strace $0x9000004B  }
0xb6: {  	_ =	sfence  }
0xb7: {  	s30 =	sld [smem:$0x0];
	_ =	sdelay $0x2  }
0xb8: {  	s31 =	sshll.u32 s1, $0xD;
	s1 =	sshrl.u32 s1, $0x2  }
0xb9: {  	s3 =	sand.u32 $0x4000, s31;
	s1 =	sadd.s32 s1, s30  }
0xba: {  	s0 =	sor.u32 s3, s0;
	s1 =	sshll.u32 s1, $0x11  }
0xbb: {  	s0 =	sor.u32 s1, s0  }
0xbc: {  	s0 =	sadd.s32 $0x8F2B, s0  }
0xbd: {  	[sflag:s0] =	ssyncadd.remote.s32 $0x1  }
0xbe: {  	_ =	sfence.sel $0xFFFF  }
0xbf: {  	[dreg:$0x0] =	wrdreg $0xFFFFFFFF;
	(pc) =	sbr.abs _section_cstart, $3  }
0xc0: {  	[dreg:$0x1] =	wrdreg $0xFFFFFFFF  }
0xc1: {  	_ =	task.clear_ibuf [dreg:s6], $0x2FFFF;
	_ =	strace $0x9FFFFFFF  }
0xc2: {  	(tm) =	ssettm $0x7FFFFFFF  }
0xc3: {  	_ =	shalt  }
tec
execute0_lowered:
.L_overlay_start_1:
0x0: {  	(tag) =	ssettag $0x1  }
0x1: {  	s6 =	rddreg [dreg:$0x0]  }
0x2: {  	s1 =	rddreg [dreg:$0x1]  }
0x3: {  	s3 =	simm.s32 $0x0;
	s0 =	stileid.u32;
	s5 =	srdreg.scid  }
0x4: {  	s16 =	simm.s32 $0x1;
	[smem:$0x7FF] =	sst s3;
	s11 =	sadd.s32 $0xB200, s6  }
0x5: {  	s4 =	sadd.s32 $0x1400, s6;
	s7 =	smul.u32 $0x14000, s0;
	s13 =	sand.u32 $0x1, s5  }
0x6: {  	s5 =	sadd.s32 $0x15000, s6;
	s31 =	sand.u32 $0x3, s0;
	s17 =	smul.u32 $0x50000, s0  }
0x7: {  	s26 =	sshll.u32 s0, $0x6;
	s29 =	smul.u32 $0x2800, s0;
	_ =	strace $0x8000004A  }
0x8: {  	s8 =	smul.u32 $0x140000, s13;
	s9 =	sshll.u32 s13, $0x4;
	p1 =	sne.s32 s31, $0x0  }
0x9: {  	s18 =	ssub.s32 $0x2, s13;
	s10 =	sshrl.u32 s7, $0x3;
	s19 =	sor.u32 s0, s9  }
0xa: {  	s21 =	sshrl.u32 s18, $0x1;
	s9 =	simm.s32 $0x24;
	s23 =	sshrl.u32 s17, $0x2  }
0xb: {  	s7 =	sadd.s32 s7, s8;
	p0 =	seq.s32 s19, $0x0;
	s2 =	sadd.s32 s10, s6  }
0xc: {  	s20 =	sshrl.u32 s19, $0x2;
	s12 =	smul.u32 $0x50, s19;
	s15 =	ssub.s32 s18, s21  }
0xd: {  	s17 =	sadd.s32 s23, s1;
	s30 =	sshll.u32 s19, $0x8;
	s23 =	simm.s32 $0x2880  }
0xe: {  	s7 =	sshrl.u32 s7, $0x3;
	p0 =	por !p1, !p0;
	p1 =	seq.s32 s19, $0x1F  }
0xf: {  	s8 =	sadd.s32 $0x3D000, s2;
	s15 =	smax.u32 s15, $0x1;
	p0 =	por !p0, !p0  }
0x10: {  	s17 =	sshrl.u32 s17, $0x3;
	s14 =	sadd.s32 s7, s6;
	s16 =	simm.s32 @!p0 $0x0  }
0x11: {  	s6 =	simm.s32 $0x1;
	p0 =	seq.s32 s31, $0x3;
	s7 =	ssub.s32 s16, s20  }
0x12: {  	s14 =	sadd.s32 $0x65000, s14;
	s31 =	sand.u32 $0x1C00, s30;
	s7 =	sshll.u32 s7, $0x3  }
0x13: {  	s9 =	simm.s32 @!p0 $0x28;
	s22 =	sadd.s32 s12, s7;
	s12 =	simm.s32 $0x2  }
0x14: {  	s16 =	sshll.u32 s16, $0xA;
	s7 =	simm.s32 $0x2;
	s12 =	simm.s32 @!p1 $0x0  }
0x15: {  	s24 =	sshll.u32 s22, $0x7;
	s20 =	sshll.u32 s22, $0x4;
	s22 =	smul.u32 $0x28000, s13  }
0x16: {  	p1 =	sne.s32 s19, $0x1F;
	s19 =	simm.s32 $0x2900;
	s18 =	sor.u32 s9, s12  }
0x17: {  	s25 =	sadd.s32 $0x2400, s24;
	s9 =	sor.u32 $0x1C05, s26;
	s10 =	sadd.s32 s11, s20  }
0x18: {  	s13 =	sadd.s32 s4, s20;
	s24 =	simm.s32 $0x3;
	s26 =	simm.s32 $0x0  }
0x19: {  	s21 =	sshrl.u32 s25, $0x3;
	s12 =	sadd.s32 $0x480, s10;
	s28 =	sadd.s32 $0xFFFFFFFF, s18  }
0x1a: {  	s18 =	sshll.u32 s18, $0x8;
	s20 =	sadd.s32 s29, s22;
	s22 =	simm.s32 $0x6900  }
0x1b: {  	s25 =	simm.s32 $0x4;
	s11 =	sadd.s32 s11, s21;
	[dreg:$0x3] =	wrdreg s28  }
0x1c: {  	[dreg:$0x4] =	wrdreg s18;
	s16 =	sor.u32 s16, s20;
	s18 =	simm.s32 $0x5  }
0x1d: {  	s20 =	simm.s32 $0x2800;
	s21 =	simm.s32 $0x80;
	s16 =	ssub.s32 s16, s31  }
.LBB2_1:
0x1e: {  	[spmem:s17], [sflag:s9] =	dma.local [hbm:s8], $0x2800  }
0x1f: {  	_ =	swait.ge [sflag:s18], $0x2800  }
0x20: {  	[sflag:s18] =	ssyncset.done $0x0  }
0x21: {  	[sflag:s18] =	ssyncadd.s32 $0xFFFFD800  }
0x22: {  	[tilespmem:s3], [sflag:$0x5] =	stream.linear.gather [hbm4b:s10+s3], $0x2400, $0x38;
	[tilespmem:$0x1E900] =	vst v63  }
0x23: {  	_ =	swait.ge [sflag:s18], $0x2400  }
0x24: {  	[sflag:s18] =	ssyncset.done $0x0  }
0x25: {  	s28 =	simm.s32 @!p0 $0x0;
	s29 =	simm.s32 @!p0 $0x2400;
	[sflag:s18] =	ssyncadd.s32 $0xFFFFDC00  }
0x26: {  	[tilespmem:s29], [sflag:$0x5] =	stream.linear.gather @!p0 [hbm4b:s11+s28], $0x400, $0x38;
	[tilespmem:$0x1E900] =	vst v63  }
0x27: {  	s28 =	simm.s32 @!p0 $0x5  }
0x28: {  	_ =	swait.ge @!p0 [sflag:s28], $0x400  }
0x29: {  	[sflag:s28] =	ssyncset.done @!p0 $0x0  }
0x2a: {  	s29 =	simm.s32 @!p1 $0x2400;
	[sflag:s28] =	ssyncadd.s32 @!p0 $0xFFFFFC00;
	s28 =	simm.s32 @!p1 $0x0  }
0x2b: {  	[tilespmem:s29], [sflag:$0x5] =	stream.linear.gather @!p1 [hbm4b:s12+s28], $0x200, $0x38;
	[tilespmem:$0x1E900] =	vst v63  }
0x2c: {  	s28 =	simm.s32 @!p1 $0x5  }
0x2d: {  	_ =	swait.ge @!p1 [sflag:s28], $0x200  }
0x2e: {  	[sflag:s28] =	ssyncset.done @!p1 $0x0  }
0x2f: {  	[sflag:s28] =	ssyncadd.s32 @!p1 $0xFFFFFE00  }
0x30: {  	[bflag:$0x0] =	sbarrier.arrive $0xFFFF  }
0x31: {  	[tilespmem:s19], [sflag:$0x1] =	stream.indirect.gather [hbm4b:s5+s21], $0x80, s3, s21, $0xb8;
	[tilespmem:$0x1E900] =	vst v63  }
0x32: {  	s30 =	simm.s32 $0x0;
	s29 =	simm.s32 $0x0;
	s28 =	simm.s32 $0x80  }
0x33: {  	[tilespmem:s20], [sflag:$0x3] =	stream.linear.gather [hbm4b:s13+s3], $0x80, $0x38;
	[tilespmem:$0x1E900] =	vst v63  }
.LBB2_2:
0x34: {  	[tilespmem:s22], [sflag:$0x2] =	stream.indirect.gather [hbm4b:s5+s21], $0x80, s28, s21, $0xb8;
	[tilespmem:$0x1E900] =	vst v63  }
0x35: {  	s31 =	sadd.s32 s29, s16;
	s0 =	sadd.s32 $0x80, s29  }
0x36: {  	s31 =	sand.u32 $0xFFFFFC00, s31;
	s0 =	sand.u32 $0x380, s0  }
0x37: {  	s0 =	sor.u32 s0, s31  }
0x38: {  	s0 =	sshrl.u32 s0, $0x3  }
0x39: {  	s0 =	sadd.s32 s4, s0  }
0x3a: {  	[tilespmem:s23], [sflag:$0x4] =	stream.linear.gather [hbm4b:s0+s3], $0x80, $0x38;
	[tilespmem:$0x1E900] =	vst v63  }
0x3b: {  	_ =	swait.ge [sflag:s6], $0x4000  }
0x3c: {  	[sflag:s6] =	ssyncset.done $0x0  }
0x3d: {  	[sflag:s6] =	ssyncadd.s32 $0xFFFFC000  }
0x3e: {  	_ =	swait.ge [sflag:s24], $0x80  }
0x3f: {  	[sflag:s24] =	ssyncset.done $0x0  }
0x40: {  	[sflag:s24] =	ssyncadd.s32 $0xFFFFFF80  }
0x41: {  	[spmem:s1] =	stream.indirect.scatter.add.f32 [tilespmem:s19], [sflag:$0x5], $0x80, s20, s21, $0xb8;
	[tilespmem:$0x1E900] =	vst v63  }
0x42: {  	_ =	swait.ge [sflag:s18], $0x4000  }
0x43: {  	s2 =	rddreg [dreg:$0x3];
	[sflag:s18] =	ssyncset.done $0x0  }
0x44: {  	[sflag:s18] =	ssyncadd.s32 $0xFFFFC000;
	p2 =	sge.u32 s30, s2  }
0x45: {  	s0 =	sadd.s32 @!p2 $0x80, s28;
	s31 =	simm.s32 @!p2 $0x80;
	s2 =	simm.s32 @!p2 $0x2900  }
0x46: {  	[tilespmem:s2], [sflag:$0x1] =	stream.indirect.gather @!p2 [hbm4b:s5+s31], $0x80, s0, s31, $0xb8;
	[tilespmem:$0x1E900] =	vst v63  }
0x47: {  	s0 =	sadd.s32 @!p2 $0x100, s29  }
0x48: {  	s2 =	sadd.s32 @!p2 s16, s0  }
0x49: {  	s0 =	sand.u32 @!p2 $0x300, s0;
	s2 =	sand.u32 @!p2 $0xFFFFFC00, s2  }
0x4a: {  	s0 =	sor.u32 @!p2 s0, s2  }
0x4b: {  	s0 =	sshrl.u32 @!p2 s0, $0x3  }
0x4c: {  	s31 =	simm.s32 @!p2 $0x2800;
	s2 =	simm.s32 @!p2 $0x0;
	s0 =	sadd.s32 @!p2 s4, s0  }
0x4d: {  	[tilespmem:s31], [sflag:$0x3] =	stream.linear.gather @!p2 [hbm4b:s0+s2], $0x80, $0x38;
	[tilespmem:$0x1E900] =	vst v63  }
0x4e: {  	_ =	swait.ge [sflag:s7], $0x4000  }
0x4f: {  	[sflag:s7] =	ssyncset.done $0x0  }
0x50: {  	[sflag:s7] =	ssyncadd.s32 $0xFFFFC000  }
0x51: {  	_ =	swait.ge [sflag:s25], $0x80  }
0x52: {  	[sflag:s25] =	ssyncset.done $0x0  }
0x53: {  	[sflag:s25] =	ssyncadd.s32 $0xFFFFFF80  }
0x54: {  	[spmem:s1] =	stream.indirect.scatter.add.f32 [tilespmem:s22], [sflag:$0x5], $0x80, s23, s21, $0xb8;
	[tilespmem:$0x1E900] =	vst v63  }
0x55: {  	_ =	swait.ge [sflag:s18], $0x4000  }
0x56: {  	s29 =	sadd.s32 $0x100, s29;
	s31 =	rddreg [dreg:$0x4]  }
0x57: {  	p2 =	sne.s32 s31, s29  }
.Ltmp0:
0x58: {  	_ = 	snop;
	(pc) =	sbr.rel @p2 .LBB2_2-.Ltmp0, $3  }
0x59: {  	_ =	sdelay $0x1  }
0x5a: {  	[sflag:s18] =	ssyncset.done $0x0  }
0x5b: {  	s30 =	sadd.s32 $0x1, s30;
	s28 =	sadd.s32 $0x100, s28;
	[sflag:s18] =	ssyncadd.s32 $0xFFFFC000  }
0x5c: {  	s26 =	sadd.s32 $0x1, s26  }
0x5d: {  	p2 =	sne.s32 s26, s15  }
.Ltmp1:
0x5e: {  	[bflag:$0x0] =	sbarrier.arrive $0xFFFF;
	(pc) =	sbr.rel @p2 .LBB2_1-.Ltmp1, $4  }
0x5f: {  	[hbm:s14], [sflag:s9] =	dma.local [spmem:s17], $0x2800  }
0x60: {  	_ =	swait.ge [sflag:s18], $0x2800  }
0x61: {  	[sflag:s18] =	ssyncset.done $0x0  }
0x62: {  	[sflag:s18] =	ssyncadd.s32 $0xFFFFD800  }
0x63: {  	_ =	sfence.sel $0x180000  }
0x64: {  	[bflag:$0x0] =	sbarrier.arrive $0xFFFF  }
0x65: {  	_ =	strace $0x9000004A  }
0x66: {  	s0 =	stileid.u32;
	[bflag:$0x2] =	sbarrier.arrive $0xFFFF  }
0x67: {  	p0 =	sne.s32 s0, $0x0;
	s0 =	rddreg [dreg:$0x2]  }
0x68: {  	s0 =	sadd.s32 @!p0 $0x100000, s0  }
0x69: {  	[sflag:s0] =	ssyncadd.tile.s32 @!p0 $0x1;
	_ =	shalt  }
.Lfunc_end2:
_tile_overlayer_lowered:
.L_overlay_start_2:
0x6a: {  	(tag) =	ssettag $0x2  }
0x6b: {  	s0 =	rddreg [dreg:$0x0];
	s2 =	stileid.u32  }
0x6c: {  	s1 =	rddreg [dreg:$0x1];
	p0 =	sne.s32 s2, $0x0  }
0x6d: {  	s3 =	rddreg [dreg:$0x2];
	[bflag:$0x3] =	sbarrier.arrive $0xFFFF;
	s2 =	simm.s32 @!p0 $0x1C05  }
0x6e: {  	[timem:s3], [sflag:s2] =	dma.local @!p0 [hbm:s0], s1  }
0x6f: {  	s0 =	simm.s32 @!p0 $0x5  }
0x70: {  	_ =	swait.ge @!p0 [sflag:s0], s1  }
0x71: {  	s1 =	ssub.s32 @!p0 $0x0, s1;
	[sflag:s0] =	ssyncset.done @!p0 $0x0  }
0x72: {  	[sflag:s0] =	ssyncadd.s32 @!p0 s1  }
0x73: {  	[bflag:$0x3] =	sbarrier.arrive $0xFFFF  }
0x74: {  	_ =	shalt  }

</sc_bundles>
